<compile_context>
chip_gen: v7x
topology: tpu7x:2x2x1
jax: 0.10.2.dev20260603
libtpu: 0.0.44.dev20260713+nightly
codegen_flags: <defaults>
</compile_context>

<pallas_src>
import functools

import jax
import jax.numpy as jnp
from jax import lax
from jax.experimental import pallas as pl
from jax.experimental.pallas import tpu as pltpu
from jax.experimental.pallas import tpu_sc as plsc

N = 320000
D = 128
S = 10000

NC = 2
NS = 16
NW = NC * NS

SL = 624
S_TAIL = S - SL * NS


P0_ROWS = 2048
P0_SUB = P0_ROWS // 128
P0_BLOCKS = N // P0_ROWS
P0_ITERS = (N // P0_ROWS + NW) // NW


def _p0_body(ids_hbm, zcnt_hbm, cnt_out, ones_v, idx_v, cnt_sh):
    cid = lax.axis_index("c")
    sid = lax.axis_index("s")
    wid = cid * NS + sid

    sb = pl.multiple_of(sid * SL, 8)
    pltpu.sync_copy(zcnt_hbm.at[pl.ds(sb, SL)], cnt_sh.at[pl.ds(sb, SL)])

    @pl.when(sid == NS - 1)
    def _():
        tb = SL * NS
        pltpu.sync_copy(zcnt_hbm.at[pl.ds(tb, S_TAIL)], cnt_sh.at[pl.ds(tb, S_TAIL)])

    def _fill(i, _):
        ones_v[i, :] = jnp.full((16,), 1.0, jnp.float32)
        return 0
    lax.fori_loop(0, 128, _fill, 0)
    plsc.subcore_barrier()

    nblocks = N // P0_ROWS

    def _block(k, _):
        b = wid + NW * k

        @pl.when(b < nblocks)
        def _():
            rb = pl.multiple_of(b * P0_SUB, 8)
            pltpu.sync_copy(ids_hbm.at[pl.ds(rb, P0_SUB)], idx_v)
            for j in range(P0_SUB):
                pltpu.sync_copy(ones_v, cnt_sh.at[idx_v.at[j]], add=True)
        return 0

    lax.fori_loop(0, P0_ITERS, _block, 0)

    @pl.when(wid == 0)
    def _():
        tail = (N - nblocks * P0_ROWS) // 128
        pltpu.sync_copy(ids_hbm.at[pl.ds(nblocks * P0_SUB, tail)],
                        idx_v.at[pl.ds(0, tail)])
        for j in range(tail):
            pltpu.sync_copy(ones_v, cnt_sh.at[idx_v.at[j]], add=True)

    plsc.subcore_barrier()
    pltpu.sync_copy(cnt_sh.at[pl.ds(sb, SL)], cnt_out.at[cid, pl.ds(sb, SL)])

    @pl.when(sid == NS - 1)
    def _():
        tb = SL * NS
        pltpu.sync_copy(cnt_sh.at[pl.ds(tb, S_TAIL)],
                        cnt_out.at[cid, pl.ds(tb, S_TAIL)])


_phase0 = functools.partial(
    pl.kernel,
    out_type=jax.ShapeDtypeStruct((NC, S, 16), jnp.float32),
    mesh=plsc.VectorSubcoreMesh(core_axis_name="c", subcore_axis_name="s"),
    scratch_types=[
        pltpu.VMEM((128, 16), jnp.float32),
        pltpu.VMEM((P0_SUB, 128), jnp.int32),
        pltpu.VMEM_SHARED((S, 16), jnp.float32),
    ],
)(_p0_body)



P1_ROWS = 256
P1_SUB = P1_ROWS // 128
P1_BLOCKS = N // P1_ROWS
P1_ITERS = (P1_BLOCKS + NW - 1) // NW


def _p1_body(h_hbm, ids_hbm, zsum_hbm, sum_out, h_v, idx_v, acc_sh):
    cid = lax.axis_index("c")
    sid = lax.axis_index("s")
    wid = cid * NS + sid

    sb = pl.multiple_of(sid * SL, 8)
    pltpu.sync_copy(zsum_hbm.at[pl.ds(sb, SL)], acc_sh.at[pl.ds(sb, SL)])

    @pl.when(sid == NS - 1)
    def _():
        tb = SL * NS
        pltpu.sync_copy(zsum_hbm.at[pl.ds(tb, S_TAIL)], acc_sh.at[pl.ds(tb, S_TAIL)])

    plsc.subcore_barrier()

    def _block(k, _):
        b = wid + NW * k

        @pl.when(b < P1_BLOCKS)
        def _():
            pltpu.sync_copy(ids_hbm.at[b], idx_v)
            rb = pl.multiple_of(b * P1_ROWS, 8)
            pltpu.sync_copy(h_hbm.at[pl.ds(rb, P1_ROWS)], h_v)
            for j in range(P1_SUB):
                pltpu.sync_copy(h_v.at[pl.ds(j * 128, 128)],
                                acc_sh.at[idx_v.at[j]], add=True)
        return 0

    lax.fori_loop(0, P1_ITERS, _block, 0)
    plsc.subcore_barrier()

    pltpu.sync_copy(acc_sh.at[pl.ds(sb, SL)], sum_out.at[cid, pl.ds(sb, SL)])

    @pl.when(sid == NS - 1)
    def _():
        tb = SL * NS
        pltpu.sync_copy(acc_sh.at[pl.ds(tb, S_TAIL)],
                        sum_out.at[cid, pl.ds(tb, S_TAIL)])


_phase1 = functools.partial(
    pl.kernel,
    out_type=jax.ShapeDtypeStruct((NC, S, D), jnp.float32),
    mesh=plsc.VectorSubcoreMesh(core_axis_name="c", subcore_axis_name="s"),
    scratch_types=[
        pltpu.VMEM((P1_ROWS, D), jnp.float32),
        pltpu.VMEM((P1_SUB, 128), jnp.int32),
        pltpu.VMEM_SHARED((S, D), jnp.float32),
    ],
)(_p1_body)



def _mlp_body(sum_ref, cnt_ref, w1t_ref, b1_ref, w2t_ref, b2_ref, g_ref):
    seg = sum_ref[0] + sum_ref[1]
    cnt = cnt_ref[0, :, 0:1] + cnt_ref[1, :, 0:1]
    c = seg / jnp.maximum(cnt, 1.0)
    h = jnp.dot(c, w1t_ref[...], preferred_element_type=jnp.float32)
    h = jnp.maximum(h + b1_ref[...], 0.0)
    h2 = jnp.dot(h, w2t_ref[...], preferred_element_type=jnp.float32)
    h2 = h2 + b2_ref[...]
    g_ref[...] = 1.0 / (1.0 + jnp.exp(-h2))


_phase2 = pl.pallas_call(
    _mlp_body,
    out_shape=jax.ShapeDtypeStruct((S, D), jnp.float32),
)



P3_ROWS = 128
P3_BLOCKS = N // P3_ROWS
P3_ITERS = (P3_BLOCKS + NW - 1) // NW


def _p3_body(h_hbm, ids_hbm, g_hbm, out_hbm, h_v, g_v, idx_v, g_sh):
    cid = lax.axis_index("c")
    sid = lax.axis_index("s")
    wid = cid * NS + sid

    sb = pl.multiple_of(sid * SL, 8)
    pltpu.sync_copy(g_hbm.at[pl.ds(sb, SL)], g_sh.at[pl.ds(sb, SL)])

    @pl.when(sid == NS - 1)
    def _():
        tb = SL * NS
        pltpu.sync_copy(g_hbm.at[pl.ds(tb, S_TAIL)], g_sh.at[pl.ds(tb, S_TAIL)])

    plsc.subcore_barrier()

    def _block(k, _):
        b = wid + NW * k

        @pl.when(b < P3_BLOCKS)
        def _():
            base = pl.multiple_of(b * P3_ROWS, 8)
            pltpu.sync_copy(ids_hbm.at[b], idx_v)
            pltpu.sync_copy(h_hbm.at[pl.ds(base, P3_ROWS)], h_v)
            pltpu.sync_copy(g_sh.at[idx_v], g_v)

            def _row(r, _):
                for j in range(8):
                    sl = pl.ds(j * 16, 16)
                    g_v[r, sl] = h_v[r, sl] * g_v[r, sl]
                return 0

            lax.fori_loop(0, P3_ROWS, _row, 0)
            pltpu.sync_copy(g_v, out_hbm.at[pl.ds(base, P3_ROWS)])
        return 0

    lax.fori_loop(0, P3_ITERS, _block, 0)


_phase3 = functools.partial(
    pl.kernel,
    out_type=jax.ShapeDtypeStruct((N, D), jnp.float32),
    mesh=plsc.VectorSubcoreMesh(core_axis_name="c", subcore_axis_name="s"),
    scratch_types=[
        pltpu.VMEM((P3_ROWS, D), jnp.float32),
        pltpu.VMEM((P3_ROWS, D), jnp.float32),
        pltpu.VMEM((P3_ROWS,), jnp.int32),
        pltpu.VMEM_SHARED((S, D), jnp.float32),
    ],
)(_p3_body)


def kernel(h_V, batch_id, W1, b1, W2, b2):
    ids = batch_id.astype(jnp.int32)
    ids_p0 = ids.reshape(N // 128, 128)
    ids_p1 = ids.reshape(P1_BLOCKS, P1_SUB, 128)
    ids_p3 = ids.reshape(P3_BLOCKS, 128)
    zsum = jnp.zeros((S, D), jnp.float32)
    zcnt = jnp.zeros((S, 16), jnp.float32)
    cnt_p = _phase0(ids_p0, zcnt)
    sum_p = _phase1(h_V, ids_p1, zsum)
    g = _phase2(sum_p, cnt_p, W1.T, b1.reshape(1, D), W2.T, b2.reshape(1, D))
    return _phase3(h_V, ids_p3, g)

# --- scband reference (transcript-rebuilt; emitter-appended) ---
"""Pipeline reference for scband-context-8383776162380 (READ-ONLY COPY).

The authoritative reference and input builder live on the scoring server;
editing this copy changes nothing except your own understanding.
"""

import jax, jax.numpy as jnp
import numpy as np

NUM_SEGMENTS = 10000
D = 128
N = 320000

def setup_inputs(seed: int = 0) -> dict:
    key = jax.random.key(seed)
    k1, k2, k3, k4, k5, k6 = jax.random.split(key, 6)
    h_V = jax.random.normal(k1, (N, D), dtype=jnp.float32)
    batch_id = jnp.sort(jax.random.randint(k2, (N,), 0, NUM_SEGMENTS, dtype=jnp.int64))
    lim = 1.0 / np.sqrt(D)
    W1 = jax.random.uniform(k3, (D, D), dtype=jnp.float32, minval=-lim, maxval=lim)
    b1 = jax.random.uniform(k4, (D,), dtype=jnp.float32, minval=-lim, maxval=lim)
    W2 = jax.random.uniform(k5, (D, D), dtype=jnp.float32, minval=-lim, maxval=lim)
    b2 = jax.random.uniform(k6, (D,), dtype=jnp.float32, minval=-lim, maxval=lim)
    return {"h_V": h_V, "batch_id": batch_id, "W1": W1, "b1": b1, "W2": W2, "b2": b2}

def reference(h_V, batch_id, W1, b1, W2, b2):
    # scatter_mean(h_V, batch_id, dim=0)
    seg_sum = jax.ops.segment_sum(h_V, batch_id, num_segments=NUM_SEGMENTS)
    counts = jax.ops.segment_sum(jnp.ones((h_V.shape[0],), dtype=h_V.dtype), batch_id, num_segments=NUM_SEGMENTS)
    c_V = seg_sum / jnp.maximum(counts, 1.0)[:, None]
    # V_MLP_g: Linear -> ReLU -> Linear -> Sigmoid (torch Linear: x @ W.T + b)
    g = jax.nn.relu(c_V @ W1.T + b1)
    g = jax.nn.sigmoid(g @ W2.T + b2)
    # gather per-row gate and apply
    out = h_V * g[batch_id]
    return out

if __name__ == "__main__":
    import jax
    _d = setup_inputs()
    print(jax.jit(kernel)(*tuple(_d.values())))

</pallas_src>

<mosaic_0001>
#map = affine_map<(d0, d1) -> (0, 0)>
#map1 = affine_map<(d0, d1) -> (0, 0, 0)>
module attributes {stable_mosaic.version = 14 : i64} {
  func.func @_p0_body(%arg0: i32, %arg1: i32, %arg2: memref<2500x128xi32, #tpu.memory_space<hbm>>, %arg3: memref<10000x16xf32, #tpu.memory_space<hbm>>, %arg4: memref<2x10000x16xf32, #tpu.memory_space<hbm>>, %arg5: memref<128x16xf32, #tpu.memory_space<vmem>>, %arg6: memref<16x128xi32, #tpu.memory_space<vmem>>, %arg7: memref<10000x16xf32, #tpu.memory_space<vmem_shared>>) attributes {dimension_semantics = [#tpu.dimension_semantics<core_parallel>, #tpu.dimension_semantics<subcore_parallel>], iteration_bounds = array<i64: 2, 16>, scalar_prefetch = 0 : i64, scratch_operands = 3 : i64, tpu.core_type = #tpu.core_type<sc_vector_subcore>, window_params = [{transform_indices = #map}, {transform_indices = #map}, {transform_indices = #map1}]} {
    %mul3A = arith.constant 16 : i32
    %mul3A_0 = arith.muli %arg0, %mul3A : i32
    %add3A = arith.addi %mul3A_0, %arg1 : i32
    %mul3A_1 = arith.constant 624 : i32
    %mul3A_2 = arith.muli %arg1, %mul3A_1 : i32
    %multiple_of3A = tpu.assume_multiple %mul3A_2, 8 : i32
    "tpu.region"() ({
      %run_scoped3A = tpu.sem_alloc : memref<!tpu.dma_semaphore, #tpu.memory_space<semaphore_mem>>
      %dma_start3A = arith.constant 0 : i32
      %dma_start3A_29 = tpu.memref_slice %arg7[%multiple_of3A, %dma_start3A] : memref<10000x16xf32, #tpu.memory_space<vmem_shared>> -> memref<624x16xf32, #tpu.memory_space<vmem_shared>>
      %dma_start3A_30 = arith.constant 0 : i32
      %dma_start3A_31 = tpu.memref_slice %arg3[%multiple_of3A, %dma_start3A_30] : memref<10000x16xf32, #tpu.memory_space<hbm>> -> memref<624x16xf32, #tpu.memory_space<hbm>>
      tpu.enqueue_dma source(%dma_start3A_31 : memref<624x16xf32, #tpu.memory_space<hbm>>) target(%dma_start3A_29 : memref<624x16xf32, #tpu.memory_space<vmem_shared>>) target_semaphore(%run_scoped3A : memref<!tpu.dma_semaphore, #tpu.memory_space<semaphore_mem>>)
      %dma_wait3A = arith.constant 0 : i32
      %dma_wait3A_32 = tpu.memref_slice %arg7[%multiple_of3A, %dma_wait3A] : memref<10000x16xf32, #tpu.memory_space<vmem_shared>> -> memref<624x16xf32, #tpu.memory_space<vmem_shared>>
      %dma_wait3A_33 = arith.constant 0 : i32
      %dma_wait3A_34 = tpu.memref_slice %arg3[%multiple_of3A, %dma_wait3A_33] : memref<10000x16xf32, #tpu.memory_space<hbm>> -> memref<624x16xf32, #tpu.memory_space<hbm>>
      tpu.wait_dma2 semaphore(%run_scoped3A : memref<!tpu.dma_semaphore, #tpu.memory_space<semaphore_mem>>) src(%dma_wait3A_34 : memref<624x16xf32, #tpu.memory_space<hbm>>) dst(%dma_wait3A_32 : memref<624x16xf32, #tpu.memory_space<vmem_shared>>)
      tpu.yield
    }) : () -> ()
    %eq3A = arith.constant 15 : i32
    %eq3A_3 = arith.cmpi eq, %arg1, %eq3A : i32
    %convert_element_type3A = arith.extui %eq3A_3 : i1 to i32
    %cond3A = arith.constant 0 : i32
    %cond3A_4 = arith.cmpi ne, %convert_element_type3A, %cond3A : i32
    scf.if %cond3A_4 {
      "tpu.region"() ({
        %run_scoped3A = tpu.sem_alloc : memref<!tpu.dma_semaphore, #tpu.memory_space<semaphore_mem>>
        %dma_start3A = arith.constant 9984 : i32
        %dma_start3A_29 = arith.constant 0 : i32
        %dma_start3A_30 = tpu.memref_slice %arg7[%dma_start3A, %dma_start3A_29] : memref<10000x16xf32, #tpu.memory_space<vmem_shared>> -> memref<16x16xf32, #tpu.memory_space<vmem_shared>>
        %dma_start3A_31 = arith.constant 9984 : i32
        %dma_start3A_32 = arith.constant 0 : i32
        %dma_start3A_33 = tpu.memref_slice %arg3[%dma_start3A_31, %dma_start3A_32] : memref<10000x16xf32, #tpu.memory_space<hbm>> -> memref<16x16xf32, #tpu.memory_space<hbm>>
        tpu.enqueue_dma source(%dma_start3A_33 : memref<16x16xf32, #tpu.memory_space<hbm>>) target(%dma_start3A_30 : memref<16x16xf32, #tpu.memory_space<vmem_shared>>) target_semaphore(%run_scoped3A : memref<!tpu.dma_semaphore, #tpu.memory_space<semaphore_mem>>)
        %dma_wait3A = arith.constant 9984 : i32
        %dma_wait3A_34 = arith.constant 0 : i32
        %dma_wait3A_35 = tpu.memref_slice %arg7[%dma_wait3A, %dma_wait3A_34] : memref<10000x16xf32, #tpu.memory_space<vmem_shared>> -> memref<16x16xf32, #tpu.memory_space<vmem_shared>>
        %dma_wait3A_36 = arith.constant 9984 : i32
        %dma_wait3A_37 = arith.constant 0 : i32
        %dma_wait3A_38 = tpu.memref_slice %arg3[%dma_wait3A_36, %dma_wait3A_37] : memref<10000x16xf32, #tpu.memory_space<hbm>> -> memref<16x16xf32, #tpu.memory_space<hbm>>
        tpu.wait_dma2 semaphore(%run_scoped3A : memref<!tpu.dma_semaphore, #tpu.memory_space<semaphore_mem>>) src(%dma_wait3A_38 : memref<16x16xf32, #tpu.memory_space<hbm>>) dst(%dma_wait3A_35 : memref<16x16xf32, #tpu.memory_space<vmem_shared>>)
        tpu.yield
      }) : () -> ()
    } else {
    }
    %scan3A = arith.constant 0 : i32
    %scan3A_5 = arith.constant 0 : i32
    %scan3A_6 = arith.constant 128 : i32
    %scan3A_7 = arith.addi %scan3A_5, %scan3A_6 : i32
    %scan3A_8 = arith.constant 1 : i32
    %scan3A_9 = scf.for %scan3A_29 = %scan3A_5 to %scan3A_7 step %scan3A_8 iter_args(%scan3A_30 = %scan3A) -> (i32)  : i32 {
      %broadcast_in_dim3A = arith.constant 1.000000e+00 : f32
      %broadcast_in_dim3A_31 = vector.broadcast %broadcast_in_dim3A : f32 to vector<16xf32>
      %swap3A = arith.index_cast %scan3A_29 : i32 to index
      %swap3A_32 = arith.constant 0 : index
      %swap3A_33 = tpu.vector_load %arg5[%swap3A, %swap3A_32] {strides = array<i32>} : memref<128x16xf32, #tpu.memory_space<vmem>>, vector<1x16xf32>,
      %swap3A_34 = vector.shape_cast %swap3A_33 : vector<1x16xf32> to vector<16xf32>
      %swap3A_35 = vector.shape_cast %broadcast_in_dim3A_31 : vector<16xf32> to vector<1x16xf32>
      tpu.vector_store %arg5[%swap3A, %swap3A_32], %swap3A_35 {strides = array<i32>} : memref<128x16xf32, #tpu.memory_space<vmem>>, vector<1x16xf32>,
      %scan3A_36 = arith.constant 0 : i32
      scf.yield %scan3A_36 : i32
    }
    %scan3A_10 = arith.constant 128 : i32
    %barrier3A = arith.constant 0 : index
    tpu.barrier barrier_id(%barrier3A)
    %scan3A_11 = arith.constant 0 : i32
    %scan3A_12 = arith.constant 0 : i32
    %scan3A_13 = arith.constant 5 : i32
    %scan3A_14 = arith.addi %scan3A_12, %scan3A_13 : i32
    %scan3A_15 = arith.constant 1 : i32
    %scan3A_16 = scf.for %scan3A_29 = %scan3A_12 to %scan3A_14 step %scan3A_15 iter_args(%scan3A_30 = %scan3A_11) -> (i32)  : i32 {
      %mul3A_31 = arith.constant 32 : i32
      %mul3A_32 = arith.muli %mul3A_31, %scan3A_29 : i32
      %add3A_33 = arith.addi %add3A, %mul3A_32 : i32
      %lt3A = arith.constant 156 : i32
      %lt3A_34 = arith.cmpi slt, %add3A_33, %lt3A : i32
      %convert_element_type3A_35 = arith.extui %lt3A_34 : i1 to i32
      %cond3A_36 = arith.constant 0 : i32
      %cond3A_37 = arith.cmpi ne, %convert_element_type3A_35, %cond3A_36 : i32
      scf.if %cond3A_37 {
        %mul3A_39 = arith.constant 16 : i32
        %mul3A_40 = arith.muli %add3A_33, %mul3A_39 : i32
        %multiple_of3A_41 = tpu.assume_multiple %mul3A_40, 8 : i32
        "tpu.region"() ({
          %run_scoped3A_57 = tpu.sem_alloc : memref<!tpu.dma_semaphore, #tpu.memory_space<semaphore_mem>>
          %dma_start3A = arith.constant 0 : i32
          %dma_start3A_58 = tpu.memref_slice %arg2[%multiple_of3A_41, %dma_start3A] : memref<2500x128xi32, #tpu.memory_space<hbm>> -> memref<16x128xi32, #tpu.memory_space<hbm>>
          %dma_start3A_59 = arith.constant 0 : i32
          %dma_start3A_60 = tpu.memref_slice %arg2[%multiple_of3A_41, %dma_start3A_59] : memref<2500x128xi32, #tpu.memory_space<hbm>> -> memref<16x128xi32, #tpu.memory_space<hbm>>
          tpu.enqueue_dma source(%dma_start3A_60 : memref<16x128xi32, #tpu.memory_space<hbm>>) target(%arg6 : memref<16x128xi32, #tpu.memory_space<vmem>>) target_semaphore(%run_scoped3A_57 : memref<!tpu.dma_semaphore, #tpu.memory_space<semaphore_mem>>)
          %dma_wait3A = arith.constant 0 : i32
          %dma_wait3A_61 = tpu.memref_slice %arg2[%multiple_of3A_41, %dma_wait3A] : memref<2500x128xi32, #tpu.memory_space<hbm>> -> memref<16x128xi32, #tpu.memory_space<hbm>>
          %dma_wait3A_62 = arith.constant 0 : i32
          %dma_wait3A_63 = tpu.memref_slice %arg2[%multiple_of3A_41, %dma_wait3A_62] : memref<2500x128xi32, #tpu.memory_space<hbm>> -> memref<16x128xi32, #tpu.memory_space<hbm>>
          tpu.wait_dma2 semaphore(%run_scoped3A_57 : memref<!tpu.dma_semaphore, #tpu.memory_space<semaphore_mem>>) src(%dma_wait3A_63 : memref<16x128xi32, #tpu.memory_space<hbm>>) dst(%arg6 : memref<16x128xi32, #tpu.memory_space<vmem>>)
          tpu.yield
        }) : () -> ()
        %run_scoped3A = arith.constant 0 : i32
        "tpu.region"() ({
          %run_scoped3A_57 = tpu.sem_alloc : memref<!tpu.dma_semaphore, #tpu.memory_space<semaphore_mem>>
          %dma_start3A = arith.constant 0 : i32
          %dma_start3A_58 = tpu.memref_slice %arg6[%run_scoped3A, %dma_start3A] : memref<16x128xi32, #tpu.memory_space<vmem>> -> memref<1x128xi32, #tpu.memory_space<vmem>>
          %dma_start3A_59 = tpu.memref_squeeze %dma_start3A_58 : memref<1x128xi32, #tpu.memory_space<vmem>> -> memref<128xi32, #tpu.memory_space<vmem>>
          %dma_start3A_60 = arith.constant 0 : i32
          %dma_start3A_61 = arith.constant 0 : i32
          %dma_start3A_62 = tpu.memref_slice %arg7[%dma_start3A_60, %dma_start3A_61] : memref<10000x16xf32, #tpu.memory_space<vmem_shared>> -> memref<10000x16xf32, #tpu.memory_space<vmem_shared>>
          tpu.enqueue_indirect_dma source(%arg5 : memref<128x16xf32, #tpu.memory_space<vmem>>) target(%dma_start3A_62 : memref<10000x16xf32, #tpu.memory_space<vmem_shared>>) offsets(%dma_start3A_59 : memref<128xi32, #tpu.memory_space<vmem>>) semaphore(%run_scoped3A_57 : memref<!tpu.dma_semaphore, #tpu.memory_space<semaphore_mem>>) {add = true}
          %dma_wait3A = arith.constant 0 : i32
          %dma_wait3A_63 = tpu.memref_slice %arg6[%run_scoped3A, %dma_wait3A] : memref<16x128xi32, #tpu.memory_space<vmem>> -> memref<1x128xi32, #tpu.memory_space<vmem>>
          %dma_wait3A_64 = tpu.memref_squeeze %dma_wait3A_63 : memref<1x128xi32, #tpu.memory_space<vmem>> -> memref<128xi32, #tpu.memory_space<vmem>>
          %dma_wait3A_65 = arith.constant 0 : i32
          %dma_wait3A_66 = arith.constant 0 : i32
          %dma_wait3A_67 = tpu.memref_slice %arg7[%dma_wait3A_65, %dma_wait3A_66] : memref<10000x16xf32, #tpu.memory_space<vmem_shared>> -> memref<10000x16xf32, #tpu.memory_space<vmem_shared>>
          tpu.wait_indirect_dma semaphore(%run_scoped3A_57 : memref<!tpu.dma_semaphore, #tpu.memory_space<semaphore_mem>>) src(%arg5 : memref<128x16xf32, #tpu.memory_space<vmem>>) dst(%dma_wait3A_67 : memref<10000x16xf32, #tpu.memory_space<vmem_shared>>)
          tpu.yield
        }) : () -> ()
        %run_scoped3A_42 = arith.constant 1 : i32
        "tpu.region"() ({
          %run_scoped3A_57 = tpu.sem_alloc : memref<!tpu.dma_semaphore, #tpu.memory_space<semaphore_mem>>
          %dma_start3A = arith.constant 0 : i32
          %dma_start3A_58 = tpu.memref_slice %arg6[%run_scoped3A_42, %dma_start3A] : memref<16x128xi32, #tpu.memory_space<vmem>> -> memref<1x128xi32, #tpu.memory_space<vmem>>
          %dma_start3A_59 = tpu.memref_squeeze %dma_start3A_58 : memref<1x128xi32, #tpu.memory_space<vmem>> -> memref<128xi32, #tpu.memory_space<vmem>>
          %dma_start3A_60 = arith.constant 0 : i32
          %dma_start3A_61 = arith.constant 0 : i32
          %dma_start3A_62 = tpu.memref_slice %arg7[%dma_start3A_60, %dma_start3A_61] : memref<10000x16xf32, #tpu.memory_space<vmem_shared>> -> memref<10000x16xf32, #tpu.memory_space<vmem_shared>>
          tpu.enqueue_indirect_dma source(%arg5 : memref<128x16xf32, #tpu.memory_space<vmem>>) target(%dma_start3A_62 : memref<10000x16xf32, #tpu.memory_space<vmem_shared>>) offsets(%dma_start3A_59 : memref<128xi32, #tpu.memory_space<vmem>>) semaphore(%run_scoped3A_57 : memref<!tpu.dma_semaphore, #tpu.memory_space<semaphore_mem>>) {add = true}
          %dma_wait3A = arith.constant 0 : i32
          %dma_wait3A_63 = tpu.memref_slice %arg6[%run_scoped3A_42, %dma_wait3A] : memref<16x128xi32, #tpu.memory_space<vmem>> -> memref<1x128xi32, #tpu.memory_space<vmem>>
          %dma_wait3A_64 = tpu.memref_squeeze %dma_wait3A_63 : memref<1x128xi32, #tpu.memory_space<vmem>> -> memref<128xi32, #tpu.memory_space<vmem>>
          %dma_wait3A_65 = arith.constant 0 : i32
          %dma_wait3A_66 = arith.constant 0 : i32
          %dma_wait3A_67 = tpu.memref_slice %arg7[%dma_wait3A_65, %dma_wait3A_66] : memref<10000x16xf32, #tpu.memory_space<vmem_shared>> -> memref<10000x16xf32, #tpu.memory_space<vmem_shared>>
          tpu.wait_indirect_dma semaphore(%run_scoped3A_57 : memref<!tpu.dma_semaphore, #tpu.memory_space<semaphore_mem>>) src(%arg5 : memref<128x16xf32, #tpu.memory_space<vmem>>) dst(%dma_wait3A_67 : memref<10000x16xf32, #tpu.memory_space<vmem_shared>>)
          tpu.yield
        }) : () -> ()
        %run_scoped3A_43 = arith.constant 2 : i32
        "tpu.region"() ({
          %run_scoped3A_57 = tpu.sem_alloc : memref<!tpu.dma_semaphore, #tpu.memory_space<semaphore_mem>>
          %dma_start3A = arith.constant 0 : i32
          %dma_start3A_58 = tpu.memref_slice %arg6[%run_scoped3A_43, %dma_start3A] : memref<16x128xi32, #tpu.memory_space<vmem>> -> memref<1x128xi32, #tpu.memory_space<vmem>>
          %dma_start3A_59 = tpu.memref_squeeze %dma_start3A_58 : memref<1x128xi32, #tpu.memory_space<vmem>> -> memref<128xi32, #tpu.memory_space<vmem>>
          %dma_start3A_60 = arith.constant 0 : i32
          %dma_start3A_61 = arith.constant 0 : i32
          %dma_start3A_62 = tpu.memref_slice %arg7[%dma_start3A_60, %dma_start3A_61] : memref<10000x16xf32, #tpu.memory_space<vmem_shared>> -> memref<10000x16xf32, #tpu.memory_space<vmem_shared>>
          tpu.enqueue_indirect_dma source(%arg5 : memref<128x16xf32, #tpu.memory_space<vmem>>) target(%dma_start3A_62 : memref<10000x16xf32, #tpu.memory_space<vmem_shared>>) offsets(%dma_start3A_59 : memref<128xi32, #tpu.memory_space<vmem>>) semaphore(%run_scoped3A_57 : memref<!tpu.dma_semaphore, #tpu.memory_space<semaphore_mem>>) {add = true}
          %dma_wait3A = arith.constant 0 : i32
          %dma_wait3A_63 = tpu.memref_slice %arg6[%run_scoped3A_43, %dma_wait3A] : memref<16x128xi32, #tpu.memory_space<vmem>> -> memref<1x128xi32, #tpu.memory_space<vmem>>
          %dma_wait3A_64 = tpu.memref_squeeze %dma_wait3A_63 : memref<1x128xi32, #tpu.memory_space<vmem>> -> memref<128xi32, #tpu.memory_space<vmem>>
          %dma_wait3A_65 = arith.constant 0 : i32
          %dma_wait3A_66 = arith.constant 0 : i32
          %dma_wait3A_67 = tpu.memref_slice %arg7[%dma_wait3A_65, %dma_wait3A_66] : memref<10000x16xf32, #tpu.memory_space<vmem_shared>> -> memref<10000x16xf32, #tpu.memory_space<vmem_shared>>
          tpu.wait_indirect_dma semaphore(%run_scoped3A_57 : memref<!tpu.dma_semaphore, #tpu.memory_space<semaphore_mem>>) src(%arg5 : memref<128x16xf32, #tpu.memory_space<vmem>>) dst(%dma_wait3A_67 : memref<10000x16xf32, #tpu.memory_space<vmem_shared>>)
          tpu.yield
        }) : () -> ()
        %run_scoped3A_44 = arith.constant 3 : i32
        "tpu.region"() ({
          %run_scoped3A_57 = tpu.sem_alloc : memref<!tpu.dma_semaphore, #tpu.memory_space<semaphore_mem>>
          %dma_start3A = arith.constant 0 : i32
          %dma_start3A_58 = tpu.memref_slice %arg6[%run_scoped3A_44, %dma_start3A] : memref<16x128xi32, #tpu.memory_space<vmem>> -> memref<1x128xi32, #tpu.memory_space<vmem>>
          %dma_start3A_59 = tpu.memref_squeeze %dma_start3A_58 : memref<1x128xi32, #tpu.memory_space<vmem>> -> memref<128xi32, #tpu.memory_space<vmem>>
          %dma_start3A_60 = arith.constant 0 : i32
          %dma_start3A_61 = arith.constant 0 : i32
          %dma_start3A_62 = tpu.memref_slice %arg7[%dma_start3A_60, %dma_start3A_61] : memref<10000x16xf32, #tpu.memory_space<vmem_shared>> -> memref<10000x16xf32, #tpu.memory_space<vmem_shared>>
          tpu.enqueue_indirect_dma source(%arg5 : memref<128x16xf32, #tpu.memory_space<vmem>>) target(%dma_start3A_62 : memref<10000x16xf32, #tpu.memory_space<vmem_shared>>) offsets(%dma_start3A_59 : memref<128xi32, #tpu.memory_space<vmem>>) semaphore(%run_scoped3A_57 : memref<!tpu.dma_semaphore, #tpu.memory_space<semaphore_mem>>) {add = true}
          %dma_wait3A = arith.constant 0 : i32
          %dma_wait3A_63 = tpu.memref_slice %arg6[%run_scoped3A_44, %dma_wait3A] : memref<16x128xi32, #tpu.memory_space<vmem>> -> memref<1x128xi32, #tpu.memory_space<vmem>>
          %dma_wait3A_64 = tpu.memref_squeeze %dma_wait3A_63 : memref<1x128xi32, #tpu.memory_space<vmem>> -> memref<128xi32, #tpu.memory_space<vmem>>
          %dma_wait3A_65 = arith.constant 0 : i32
          %dma_wait3A_66 = arith.constant 0 : i32
          %dma_wait3A_67 = tpu.memref_slice %arg7[%dma_wait3A_65, %dma_wait3A_66] : memref<10000x16xf32, #tpu.memory_space<vmem_shared>> -> memref<10000x16xf32, #tpu.memory_space<vmem_shared>>
          tpu.wait_indirect_dma semaphore(%run_scoped3A_57 : memref<!tpu.dma_semaphore, #tpu.memory_space<semaphore_mem>>) src(%arg5 : memref<128x16xf32, #tpu.memory_space<vmem>>) dst(%dma_wait3A_67 : memref<10000x16xf32, #tpu.memory_space<vmem_shared>>)
          tpu.yield
        }) : () -> ()
        %run_scoped3A_45 = arith.constant 4 : i32
        "tpu.region"() ({
          %run_scoped3A_57 = tpu.sem_alloc : memref<!tpu.dma_semaphore, #tpu.memory_space<semaphore_mem>>
          %dma_start3A = arith.constant 0 : i32
          %dma_start3A_58 = tpu.memref_slice %arg6[%run_scoped3A_45, %dma_start3A] : memref<16x128xi32, #tpu.memory_space<vmem>> -> memref<1x128xi32, #tpu.memory_space<vmem>>
          %dma_start3A_59 = tpu.memref_squeeze %dma_start3A_58 : memref<1x128xi32, #tpu.memory_space<vmem>> -> memref<128xi32, #tpu.memory_space<vmem>>
          %dma_start3A_60 = arith.constant 0 : i32
          %dma_start3A_61 = arith.constant 0 : i32
          %dma_start3A_62 = tpu.memref_slice %arg7[%dma_start3A_60, %dma_start3A_61] : memref<10000x16xf32, #tpu.memory_space<vmem_shared>> -> memref<10000x16xf32, #tpu.memory_space<vmem_shared>>
          tpu.enqueue_indirect_dma source(%arg5 : memref<128x16xf32, #tpu.memory_space<vmem>>) target(%dma_start3A_62 : memref<10000x16xf32, #tpu.memory_space<vmem_shared>>) offsets(%dma_start3A_59 : memref<128xi32, #tpu.memory_space<vmem>>) semaphore(%run_scoped3A_57 : memref<!tpu.dma_semaphore, #tpu.memory_space<semaphore_mem>>) {add = true}
          %dma_wait3A = arith.constant 0 : i32
          %dma_wait3A_63 = tpu.memref_slice %arg6[%run_scoped3A_45, %dma_wait3A] : memref<16x128xi32, #tpu.memory_space<vmem>> -> memref<1x128xi32, #tpu.memory_space<vmem>>
          %dma_wait3A_64 = tpu.memref_squeeze %dma_wait3A_63 : memref<1x128xi32, #tpu.memory_space<vmem>> -> memref<128xi32, #tpu.memory_space<vmem>>
          %dma_wait3A_65 = arith.constant 0 : i32
          %dma_wait3A_66 = arith.constant 0 : i32
          %dma_wait3A_67 = tpu.memref_slice %arg7[%dma_wait3A_65, %dma_wait3A_66] : memref<10000x16xf32, #tpu.memory_space<vmem_shared>> -> memref<10000x16xf32, #tpu.memory_space<vmem_shared>>
          tpu.wait_indirect_dma semaphore(%run_scoped3A_57 : memref<!tpu.dma_semaphore, #tpu.memory_space<semaphore_mem>>) src(%arg5 : memref<128x16xf32, #tpu.memory_space<vmem>>) dst(%dma_wait3A_67 : memref<10000x16xf32, #tpu.memory_space<vmem_shared>>)
          tpu.yield
        }) : () -> ()
        %run_scoped3A_46 = arith.constant 5 : i32
        "tpu.region"() ({
          %run_scoped3A_57 = tpu.sem_alloc : memref<!tpu.dma_semaphore, #tpu.memory_space<semaphore_mem>>
          %dma_start3A = arith.constant 0 : i32
          %dma_start3A_58 = tpu.memref_slice %arg6[%run_scoped3A_46, %dma_start3A] : memref<16x128xi32, #tpu.memory_space<vmem>> -> memref<1x128xi32, #tpu.memory_space<vmem>>
          %dma_start3A_59 = tpu.memref_squeeze %dma_start3A_58 : memref<1x128xi32, #tpu.memory_space<vmem>> -> memref<128xi32, #tpu.memory_space<vmem>>
          %dma_start3A_60 = arith.constant 0 : i32
          %dma_start3A_61 = arith.constant 0 : i32
          %dma_start3A_62 = tpu.memref_slice %arg7[%dma_start3A_60, %dma_start3A_61] : memref<10000x16xf32, #tpu.memory_space<vmem_shared>> -> memref<10000x16xf32, #tpu.memory_space<vmem_shared>>
          tpu.enqueue_indirect_dma source(%arg5 : memref<128x16xf32, #tpu.memory_space<vmem>>) target(%dma_start3A_62 : memref<10000x16xf32, #tpu.memory_space<vmem_shared>>) offsets(%dma_start3A_59 : memref<128xi32, #tpu.memory_space<vmem>>) semaphore(%run_scoped3A_57 : memref<!tpu.dma_semaphore, #tpu.memory_space<semaphore_mem>>) {add = true}
          %dma_wait3A = arith.constant 0 : i32
          %dma_wait3A_63 = tpu.memref_slice %arg6[%run_scoped3A_46, %dma_wait3A] : memref<16x128xi32, #tpu.memory_space<vmem>> -> memref<1x128xi32, #tpu.memory_space<vmem>>
          %dma_wait3A_64 = tpu.memref_squeeze %dma_wait3A_63 : memref<1x128xi32, #tpu.memory_space<vmem>> -> memref<128xi32, #tpu.memory_space<vmem>>
          %dma_wait3A_65 = arith.constant 0 : i32
          %dma_wait3A_66 = arith.constant 0 : i32
          %dma_wait3A_67 = tpu.memref_slice %arg7[%dma_wait3A_65, %dma_wait3A_66] : memref<10000x16xf32, #tpu.memory_space<vmem_shared>> -> memref<10000x16xf32, #tpu.memory_space<vmem_shared>>
          tpu.wait_indirect_dma semaphore(%run_scoped3A_57 : memref<!tpu.dma_semaphore, #tpu.memory_space<semaphore_mem>>) src(%arg5 : memref<128x16xf32, #tpu.memory_space<vmem>>) dst(%dma_wait3A_67 : memref<10000x16xf32, #tpu.memory_space<vmem_shared>>)
          tpu.yield
        }) : () -> ()
        %run_scoped3A_47 = arith.constant 6 : i32
        "tpu.region"() ({
          %run_scoped3A_57 = tpu.sem_alloc : memref<!tpu.dma_semaphore, #tpu.memory_space<semaphore_mem>>
          %dma_start3A = arith.constant 0 : i32
          %dma_start3A_58 = tpu.memref_slice %arg6[%run_scoped3A_47, %dma_start3A] : memref<16x128xi32, #tpu.memory_space<vmem>> -> memref<1x128xi32, #tpu.memory_space<vmem>>
          %dma_start3A_59 = tpu.memref_squeeze %dma_start3A_58 : memref<1x128xi32, #tpu.memory_space<vmem>> -> memref<128xi32, #tpu.memory_space<vmem>>
          %dma_start3A_60 = arith.constant 0 : i32
          %dma_start3A_61 = arith.constant 0 : i32
          %dma_start3A_62 = tpu.memref_slice %arg7[%dma_start3A_60, %dma_start3A_61] : memref<10000x16xf32, #tpu.memory_space<vmem_shared>> -> memref<10000x16xf32, #tpu.memory_space<vmem_shared>>
          tpu.enqueue_indirect_dma source(%arg5 : memref<128x16xf32, #tpu.memory_space<vmem>>) target(%dma_start3A_62 : memref<10000x16xf32, #tpu.memory_space<vmem_shared>>) offsets(%dma_start3A_59 : memref<128xi32, #tpu.memory_space<vmem>>) semaphore(%run_scoped3A_57 : memref<!tpu.dma_semaphore, #tpu.memory_space<semaphore_mem>>) {add = true}
          %dma_wait3A = arith.constant 0 : i32
          %dma_wait3A_63 = tpu.memref_slice %arg6[%run_scoped3A_47, %dma_wait3A] : memref<16x128xi32, #tpu.memory_space<vmem>> -> memref<1x128xi32, #tpu.memory_space<vmem>>
          %dma_wait3A_64 = tpu.memref_squeeze %dma_wait3A_63 : memref<1x128xi32, #tpu.memory_space<vmem>> -> memref<128xi32, #tpu.memory_space<vmem>>
          %dma_wait3A_65 = arith.constant 0 : i32
          %dma_wait3A_66 = arith.constant 0 : i32
          %dma_wait3A_67 = tpu.memref_slice %arg7[%dma_wait3A_65, %dma_wait3A_66] : memref<10000x16xf32, #tpu.memory_space<vmem_shared>> -> memref<10000x16xf32, #tpu.memory_space<vmem_shared>>
          tpu.wait_indirect_dma semaphore(%run_scoped3A_57 : memref<!tpu.dma_semaphore, #tpu.memory_space<semaphore_mem>>) src(%arg5 : memref<128x16xf32, #tpu.memory_space<vmem>>) dst(%dma_wait3A_67 : memref<10000x16xf32, #tpu.memory_space<vmem_shared>>)
          tpu.yield
        }) : () -> ()
        %run_scoped3A_48 = arith.constant 7 : i32
        "tpu.region"() ({
          %run_scoped3A_57 = tpu.sem_alloc : memref<!tpu.dma_semaphore, #tpu.memory_space<semaphore_mem>>
          %dma_start3A = arith.constant 0 : i32
          %dma_start3A_58 = tpu.memref_slice %arg6[%run_scoped3A_48, %dma_start3A] : memref<16x128xi32, #tpu.memory_space<vmem>> -> memref<1x128xi32, #tpu.memory_space<vmem>>
          %dma_start3A_59 = tpu.memref_squeeze %dma_start3A_58 : memref<1x128xi32, #tpu.memory_space<vmem>> -> memref<128xi32, #tpu.memory_space<vmem>>
          %dma_start3A_60 = arith.constant 0 : i32
          %dma_start3A_61 = arith.constant 0 : i32
          %dma_start3A_62 = tpu.memref_slice %arg7[%dma_start3A_60, %dma_start3A_61] : memref<10000x16xf32, #tpu.memory_space<vmem_shared>> -> memref<10000x16xf32, #tpu.memory_space<vmem_shared>>
          tpu.enqueue_indirect_dma source(%arg5 : memref<128x16xf32, #tpu.memory_space<vmem>>) target(%dma_start3A_62 : memref<10000x16xf32, #tpu.memory_space<vmem_shared>>) offsets(%dma_start3A_59 : memref<128xi32, #tpu.memory_space<vmem>>) semaphore(%run_scoped3A_57 : memref<!tpu.dma_semaphore, #tpu.memory_space<semaphore_mem>>) {add = true}
          %dma_wait3A = arith.constant 0 : i32
          %dma_wait3A_63 = tpu.memref_slice %arg6[%run_scoped3A_48, %dma_wait3A] : memref<16x128xi32, #tpu.memory_space<vmem>> -> memref<1x128xi32, #tpu.memory_space<vmem>>
          %dma_wait3A_64 = tpu.memref_squeeze %dma_wait3A_63 : memref<1x128xi32, #tpu.memory_space<vmem>> -> memref<128xi32, #tpu.memory_space<vmem>>
          %dma_wait3A_65 = arith.constant 0 : i32
          %dma_wait3A_66 = arith.constant 0 : i32
          %dma_wait3A_67 = tpu.memref_slice %arg7[%dma_wait3A_65, %dma_wait3A_66] : memref<10000x16xf32, #tpu.memory_space<vmem_shared>> -> memref<10000x16xf32, #tpu.memory_space<vmem_shared>>
          tpu.wait_indirect_dma semaphore(%run_scoped3A_57 : memref<!tpu.dma_semaphore, #tpu.memory_space<semaphore_mem>>) src(%arg5 : memref<128x16xf32, #tpu.memory_space<vmem>>) dst(%dma_wait3A_67 : memref<10000x16xf32, #tpu.memory_space<vmem_shared>>)
          tpu.yield
        }) : () -> ()
        %run_scoped3A_49 = arith.constant 8 : i32
        "tpu.region"() ({
          %run_scoped3A_57 = tpu.sem_alloc : memref<!tpu.dma_semaphore, #tpu.memory_space<semaphore_mem>>
          %dma_start3A = arith.constant 0 : i32
          %dma_start3A_58 = tpu.memref_slice %arg6[%run_scoped3A_49, %dma_start3A] : memref<16x128xi32, #tpu.memory_space<vmem>> -> memref<1x128xi32, #tpu.memory_space<vmem>>
          %dma_start3A_59 = tpu.memref_squeeze %dma_start3A_58 : memref<1x128xi32, #tpu.memory_space<vmem>> -> memref<128xi32, #tpu.memory_space<vmem>>
          %dma_start3A_60 = arith.constant 0 : i32
          %dma_start3A_61 = arith.constant 0 : i32
          %dma_start3A_62 = tpu.memref_slice %arg7[%dma_start3A_60, %dma_start3A_61] : memref<10000x16xf32, #tpu.memory_space<vmem_shared>> -> memref<10000x16xf32, #tpu.memory_space<vmem_shared>>
          tpu.enqueue_indirect_dma source(%arg5 : memref<128x16xf32, #tpu.memory_space<vmem>>) target(%dma_start3A_62 : memref<10000x16xf32, #tpu.memory_space<vmem_shared>>) offsets(%dma_start3A_59 : memref<128xi32, #tpu.memory_space<vmem>>) semaphore(%run_scoped3A_57 : memref<!tpu.dma_semaphore, #tpu.memory_space<semaphore_mem>>) {add = true}
          %dma_wait3A = arith.constant 0 : i32
          %dma_wait3A_63 = tpu.memref_slice %arg6[%run_scoped3A_49, %dma_wait3A] : memref<16x128xi32, #tpu.memory_space<vmem>> -> memref<1x128xi32, #tpu.memory_space<vmem>>
          %dma_wait3A_64 = tpu.memref_squeeze %dma_wait3A_63 : memref<1x128xi32, #tpu.memory_space<vmem>> -> memref<128xi32, #tpu.memory_space<vmem>>
          %dma_wait3A_65 = arith.constant 0 : i32
          %dma_wait3A_66 = arith.constant 0 : i32
          %dma_wait3A_67 = tpu.memref_slice %arg7[%dma_wait3A_65, %dma_wait3A_66] : memref<10000x16xf32, #tpu.memory_space<vmem_shared>> -> memref<10000x16xf32, #tpu.memory_space<vmem_shared>>
          tpu.wait_indirect_dma semaphore(%run_scoped3A_57 : memref<!tpu.dma_semaphore, #tpu.memory_space<semaphore_mem>>) src(%arg5 : memref<128x16xf32, #tpu.memory_space<vmem>>) dst(%dma_wait3A_67 : memref<10000x16xf32, #tpu.memory_space<vmem_shared>>)
          tpu.yield
        }) : () -> ()
        %run_scoped3A_50 = arith.constant 9 : i32
        "tpu.region"() ({
          %run_scoped3A_57 = tpu.sem_alloc : memref<!tpu.dma_semaphore, #tpu.memory_space<semaphore_mem>>
          %dma_start3A = arith.constant 0 : i32
          %dma_start3A_58 = tpu.memref_slice %arg6[%run_scoped3A_50, %dma_start3A] : memref<16x128xi32, #tpu.memory_space<vmem>> -> memref<1x128xi32, #tpu.memory_space<vmem>>
          %dma_start3A_59 = tpu.memref_squeeze %dma_start3A_58 : memref<1x128xi32, #tpu.memory_space<vmem>> -> memref<128xi32, #tpu.memory_space<vmem>>
          %dma_start3A_60 = arith.constant 0 : i32
          %dma_start3A_61 = arith.constant 0 : i32
          %dma_start3A_62 = tpu.memref_slice %arg7[%dma_start3A_60, %dma_start3A_61] : memref<10000x16xf32, #tpu.memory_space<vmem_shared>> -> memref<10000x16xf32, #tpu.memory_space<vmem_shared>>
          tpu.enqueue_indirect_dma source(%arg5 : memref<128x16xf32, #tpu.memory_space<vmem>>) target(%dma_start3A_62 : memref<10000x16xf32, #tpu.memory_space<vmem_shared>>) offsets(%dma_start3A_59 : memref<128xi32, #tpu.memory_space<vmem>>) semaphore(%run_scoped3A_57 : memref<!tpu.dma_semaphore, #tpu.memory_space<semaphore_mem>>) {add = true}
          %dma_wait3A = arith.constant 0 : i32
          %dma_wait3A_63 = tpu.memref_slice %arg6[%run_scoped3A_50, %dma_wait3A] : memref<16x128xi32, #tpu.memory_space<vmem>> -> memref<1x128xi32, #tpu.memory_space<vmem>>
          %dma_wait3A_64 = tpu.memref_squeeze %dma_wait3A_63 : memref<1x128xi32, #tpu.memory_space<vmem>> -> memref<128xi32, #tpu.memory_space<vmem>>
          %dma_wait3A_65 = arith.constant 0 : i32
          %dma_wait3A_66 = arith.constant 0 : i32
          %dma_wait3A_67 = tpu.memref_slice %arg7[%dma_wait3A_65, %dma_wait3A_66] : memref<10000x16xf32, #tpu.memory_space<vmem_shared>> -> memref<10000x16xf32, #tpu.memory_space<vmem_shared>>
          tpu.wait_indirect_dma semaphore(%run_scoped3A_57 : memref<!tpu.dma_semaphore, #tpu.memory_space<semaphore_mem>>) src(%arg5 : memref<128x16xf32, #tpu.memory_space<vmem>>) dst(%dma_wait3A_67 : memref<10000x16xf32, #tpu.memory_space<vmem_shared>>)
          tpu.yield
        }) : () -> ()
        %run_scoped3A_51 = arith.constant 10 : i32
        "tpu.region"() ({
          %run_scoped3A_57 = tpu.sem_alloc : memref<!tpu.dma_semaphore, #tpu.memory_space<semaphore_mem>>
          %dma_start3A = arith.constant 0 : i32
          %dma_start3A_58 = tpu.memref_slice %arg6[%run_scoped3A_51, %dma_start3A] : memref<16x128xi32, #tpu.memory_space<vmem>> -> memref<1x128xi32, #tpu.memory_space<vmem>>
          %dma_start3A_59 = tpu.memref_squeeze %dma_start3A_58 : memref<1x128xi32, #tpu.memory_space<vmem>> -> memref<128xi32, #tpu.memory_space<vmem>>
          %dma_start3A_60 = arith.constant 0 : i32
          %dma_start3A_61 = arith.constant 0 : i32
          %dma_start3A_62 = tpu.memref_slice %arg7[%dma_start3A_60, %dma_start3A_61] : memref<10000x16xf32, #tpu.memory_space<vmem_shared>> -> memref<10000x16xf32, #tpu.memory_space<vmem_shared>>
          tpu.enqueue_indirect_dma source(%arg5 : memref<128x16xf32, #tpu.memory_space<vmem>>) target(%dma_start3A_62 : memref<10000x16xf32, #tpu.memory_space<vmem_shared>>) offsets(%dma_start3A_59 : memref<128xi32, #tpu.memory_space<vmem>>) semaphore(%run_scoped3A_57 : memref<!tpu.dma_semaphore, #tpu.memory_space<semaphore_mem>>) {add = true}
          %dma_wait3A = arith.constant 0 : i32
          %dma_wait3A_63 = tpu.memref_slice %arg6[%run_scoped3A_51, %dma_wait3A] : memref<16x128xi32, #tpu.memory_space<vmem>> -> memref<1x128xi32, #tpu.memory_space<vmem>>
          %dma_wait3A_64 = tpu.memref_squeeze %dma_wait3A_63 : memref<1x128xi32, #tpu.memory_space<vmem>> -> memref<128xi32, #tpu.memory_space<vmem>>
          %dma_wait3A_65 = arith.constant 0 : i32
          %dma_wait3A_66 = arith.constant 0 : i32
          %dma_wait3A_67 = tpu.memref_slice %arg7[%dma_wait3A_65, %dma_wait3A_66] : memref<10000x16xf32, #tpu.memory_space<vmem_shared>> -> memref<10000x16xf32, #tpu.memory_space<vmem_shared>>
          tpu.wait_indirect_dma semaphore(%run_scoped3A_57 : memref<!tpu.dma_semaphore, #tpu.memory_space<semaphore_mem>>) src(%arg5 : memref<128x16xf32, #tpu.memory_space<vmem>>) dst(%dma_wait3A_67 : memref<10000x16xf32, #tpu.memory_space<vmem_shared>>)
          tpu.yield
        }) : () -> ()
        %run_scoped3A_52 = arith.constant 11 : i32
        "tpu.region"() ({
          %run_scoped3A_57 = tpu.sem_alloc : memref<!tpu.dma_semaphore, #tpu.memory_space<semaphore_mem>>
          %dma_start3A = arith.constant 0 : i32
          %dma_start3A_58 = tpu.memref_slice %arg6[%run_scoped3A_52, %dma_start3A] : memref<16x128xi32, #tpu.memory_space<vmem>> -> memref<1x128xi32, #tpu.memory_space<vmem>>
          %dma_start3A_59 = tpu.memref_squeeze %dma_start3A_58 : memref<1x128xi32, #tpu.memory_space<vmem>> -> memref<128xi32, #tpu.memory_space<vmem>>
          %dma_start3A_60 = arith.constant 0 : i32
          %dma_start3A_61 = arith.constant 0 : i32
          %dma_start3A_62 = tpu.memref_slice %arg7[%dma_start3A_60, %dma_start3A_61] : memref<10000x16xf32, #tpu.memory_space<vmem_shared>> -> memref<10000x16xf32, #tpu.memory_space<vmem_shared>>
          tpu.enqueue_indirect_dma source(%arg5 : memref<128x16xf32, #tpu.memory_space<vmem>>) target(%dma_start3A_62 : memref<10000x16xf32, #tpu.memory_space<vmem_shared>>) offsets(%dma_start3A_59 : memref<128xi32, #tpu.memory_space<vmem>>) semaphore(%run_scoped3A_57 : memref<!tpu.dma_semaphore, #tpu.memory_space<semaphore_mem>>) {add = true}
          %dma_wait3A = arith.constant 0 : i32
          %dma_wait3A_63 = tpu.memref_slice %arg6[%run_scoped3A_52, %dma_wait3A] : memref<16x128xi32, #tpu.memory_space<vmem>> -> memref<1x128xi32, #tpu.memory_space<vmem>>
          %dma_wait3A_64 = tpu.memref_squeeze %dma_wait3A_63 : memref<1x128xi32, #tpu.memory_space<vmem>> -> memref<128xi32, #tpu.memory_space<vmem>>
          %dma_wait3A_65 = arith.constant 0 : i32
          %dma_wait3A_66 = arith.constant 0 : i32
          %dma_wait3A_67 = tpu.memref_slice %arg7[%dma_wait3A_65, %dma_wait3A_66] : memref<10000x16xf32, #tpu.memory_space<vmem_shared>> -> memref<10000x16xf32, #tpu.memory_space<vmem_shared>>
          tpu.wait_indirect_dma semaphore(%run_scoped3A_57 : memref<!tpu.dma_semaphore, #tpu.memory_space<semaphore_mem>>) src(%arg5 : memref<128x16xf32, #tpu.memory_space<vmem>>) dst(%dma_wait3A_67 : memref<10000x16xf32, #tpu.memory_space<vmem_shared>>)
          tpu.yield
        }) : () -> ()
        %run_scoped3A_53 = arith.constant 12 : i32
        "tpu.region"() ({
          %run_scoped3A_57 = tpu.sem_alloc : memref<!tpu.dma_semaphore, #tpu.memory_space<semaphore_mem>>
          %dma_start3A = arith.constant 0 : i32
          %dma_start3A_58 = tpu.memref_slice %arg6[%run_scoped3A_53, %dma_start3A] : memref<16x128xi32, #tpu.memory_space<vmem>> -> memref<1x128xi32, #tpu.memory_space<vmem>>
          %dma_start3A_59 = tpu.memref_squeeze %dma_start3A_58 : memref<1x128xi32, #tpu.memory_space<vmem>> -> memref<128xi32, #tpu.memory_space<vmem>>
          %dma_start3A_60 = arith.constant 0 : i32
          %dma_start3A_61 = arith.constant 0 : i32
          %dma_start3A_62 = tpu.memref_slice %arg7[%dma_start3A_60, %dma_start3A_61] : memref<10000x16xf32, #tpu.memory_space<vmem_shared>> -> memref<10000x16xf32, #tpu.memory_space<vmem_shared>>
          tpu.enqueue_indirect_dma source(%arg5 : memref<128x16xf32, #tpu.memory_space<vmem>>) target(%dma_start3A_62 : memref<10000x16xf32, #tpu.memory_space<vmem_shared>>) offsets(%dma_start3A_59 : memref<128xi32, #tpu.memory_space<vmem>>) semaphore(%run_scoped3A_57 : memref<!tpu.dma_semaphore, #tpu.memory_space<semaphore_mem>>) {add = true}
          %dma_wait3A = arith.constant 0 : i32
          %dma_wait3A_63 = tpu.memref_slice %arg6[%run_scoped3A_53, %dma_wait3A] : memref<16x128xi32, #tpu.memory_space<vmem>> -> memref<1x128xi32, #tpu.memory_space<vmem>>
          %dma_wait3A_64 = tpu.memref_squeeze %dma_wait3A_63 : memref<1x128xi32, #tpu.memory_space<vmem>> -> memref<128xi32, #tpu.memory_space<vmem>>
          %dma_wait3A_65 = arith.constant 0 : i32
          %dma_wait3A_66 = arith.constant 0 : i32
          %dma_wait3A_67 = tpu.memref_slice %arg7[%dma_wait3A_65, %dma_wait3A_66] : memref<10000x16xf32, #tpu.memory_space<vmem_shared>> -> memref<10000x16xf32, #tpu.memory_space<vmem_shared>>
          tpu.wait_indirect_dma semaphore(%run_scoped3A_57 : memref<!tpu.dma_semaphore, #tpu.memory_space<semaphore_mem>>) src(%arg5 : memref<128x16xf32, #tpu.memory_space<vmem>>) dst(%dma_wait3A_67 : memref<10000x16xf32, #tpu.memory_space<vmem_shared>>)
          tpu.yield
        }) : () -> ()
        %run_scoped3A_54 = arith.constant 13 : i32
        "tpu.region"() ({
          %run_scoped3A_57 = tpu.sem_alloc : memref<!tpu.dma_semaphore, #tpu.memory_space<semaphore_mem>>
          %dma_start3A = arith.constant 0 : i32
          %dma_start3A_58 = tpu.memref_slice %arg6[%run_scoped3A_54, %dma_start3A] : memref<16x128xi32, #tpu.memory_space<vmem>> -> memref<1x128xi32, #tpu.memory_space<vmem>>
          %dma_start3A_59 = tpu.memref_squeeze %dma_start3A_58 : memref<1x128xi32, #tpu.memory_space<vmem>> -> memref<128xi32, #tpu.memory_space<vmem>>
          %dma_start3A_60 = arith.constant 0 : i32
          %dma_start3A_61 = arith.constant 0 : i32
          %dma_start3A_62 = tpu.memref_slice %arg7[%dma_start3A_60, %dma_start3A_61] : memref<10000x16xf32, #tpu.memory_space<vmem_shared>> -> memref<10000x16xf32, #tpu.memory_space<vmem_shared>>
          tpu.enqueue_indirect_dma source(%arg5 : memref<128x16xf32, #tpu.memory_space<vmem>>) target(%dma_start3A_62 : memref<10000x16xf32, #tpu.memory_space<vmem_shared>>) offsets(%dma_start3A_59 : memref<128xi32, #tpu.memory_space<vmem>>) semaphore(%run_scoped3A_57 : memref<!tpu.dma_semaphore, #tpu.memory_space<semaphore_mem>>) {add = true}
          %dma_wait3A = arith.constant 0 : i32
          %dma_wait3A_63 = tpu.memref_slice %arg6[%run_scoped3A_54, %dma_wait3A] : memref<16x128xi32, #tpu.memory_space<vmem>> -> memref<1x128xi32, #tpu.memory_space<vmem>>
          %dma_wait3A_64 = tpu.memref_squeeze %dma_wait3A_63 : memref<1x128xi32, #tpu.memory_space<vmem>> -> memref<128xi32, #tpu.memory_space<vmem>>
          %dma_wait3A_65 = arith.constant 0 : i32
          %dma_wait3A_66 = arith.constant 0 : i32
          %dma_wait3A_67 = tpu.memref_slice %arg7[%dma_wait3A_65, %dma_wait3A_66] : memref<10000x16xf32, #tpu.memory_space<vmem_shared>> -> memref<10000x16xf32, #tpu.memory_space<vmem_shared>>
          tpu.wait_indirect_dma semaphore(%run_scoped3A_57 : memref<!tpu.dma_semaphore, #tpu.memory_space<semaphore_mem>>) src(%arg5 : memref<128x16xf32, #tpu.memory_space<vmem>>) dst(%dma_wait3A_67 : memref<10000x16xf32, #tpu.memory_space<vmem_shared>>)
          tpu.yield
        }) : () -> ()
        %run_scoped3A_55 = arith.constant 14 : i32
        "tpu.region"() ({
          %run_scoped3A_57 = tpu.sem_alloc : memref<!tpu.dma_semaphore, #tpu.memory_space<semaphore_mem>>
          %dma_start3A = arith.constant 0 : i32
          %dma_start3A_58 = tpu.memref_slice %arg6[%run_scoped3A_55, %dma_start3A] : memref<16x128xi32, #tpu.memory_space<vmem>> -> memref<1x128xi32, #tpu.memory_space<vmem>>
          %dma_start3A_59 = tpu.memref_squeeze %dma_start3A_58 : memref<1x128xi32, #tpu.memory_space<vmem>> -> memref<128xi32, #tpu.memory_space<vmem>>
          %dma_start3A_60 = arith.constant 0 : i32
          %dma_start3A_61 = arith.constant 0 : i32
          %dma_start3A_62 = tpu.memref_slice %arg7[%dma_start3A_60, %dma_start3A_61] : memref<10000x16xf32, #tpu.memory_space<vmem_shared>> -> memref<10000x16xf32, #tpu.memory_space<vmem_shared>>
          tpu.enqueue_indirect_dma source(%arg5 : memref<128x16xf32, #tpu.memory_space<vmem>>) target(%dma_start3A_62 : memref<10000x16xf32, #tpu.memory_space<vmem_shared>>) offsets(%dma_start3A_59 : memref<128xi32, #tpu.memory_space<vmem>>) semaphore(%run_scoped3A_57 : memref<!tpu.dma_semaphore, #tpu.memory_space<semaphore_mem>>) {add = true}
          %dma_wait3A = arith.constant 0 : i32
          %dma_wait3A_63 = tpu.memref_slice %arg6[%run_scoped3A_55, %dma_wait3A] : memref<16x128xi32, #tpu.memory_space<vmem>> -> memref<1x128xi32, #tpu.memory_space<vmem>>
          %dma_wait3A_64 = tpu.memref_squeeze %dma_wait3A_63 : memref<1x128xi32, #tpu.memory_space<vmem>> -> memref<128xi32, #tpu.memory_space<vmem>>
          %dma_wait3A_65 = arith.constant 0 : i32
          %dma_wait3A_66 = arith.constant 0 : i32
          %dma_wait3A_67 = tpu.memref_slice %arg7[%dma_wait3A_65, %dma_wait3A_66] : memref<10000x16xf32, #tpu.memory_space<vmem_shared>> -> memref<10000x16xf32, #tpu.memory_space<vmem_shared>>
          tpu.wait_indirect_dma semaphore(%run_scoped3A_57 : memref<!tpu.dma_semaphore, #tpu.memory_space<semaphore_mem>>) src(%arg5 : memref<128x16xf32, #tpu.memory_space<vmem>>) dst(%dma_wait3A_67 : memref<10000x16xf32, #tpu.memory_space<vmem_shared>>)
          tpu.yield
        }) : () -> ()
        %run_scoped3A_56 = arith.constant 15 : i32
        "tpu.region"() ({
          %run_scoped3A_57 = tpu.sem_alloc : memref<!tpu.dma_semaphore, #tpu.memory_space<semaphore_mem>>
          %dma_start3A = arith.constant 0 : i32
          %dma_start3A_58 = tpu.memref_slice %arg6[%run_scoped3A_56, %dma_start3A] : memref<16x128xi32, #tpu.memory_space<vmem>> -> memref<1x128xi32, #tpu.memory_space<vmem>>
          %dma_start3A_59 = tpu.memref_squeeze %dma_start3A_58 : memref<1x128xi32, #tpu.memory_space<vmem>> -> memref<128xi32, #tpu.memory_space<vmem>>
          %dma_start3A_60 = arith.constant 0 : i32
          %dma_start3A_61 = arith.constant 0 : i32
          %dma_start3A_62 = tpu.memref_slice %arg7[%dma_start3A_60, %dma_start3A_61] : memref<10000x16xf32, #tpu.memory_space<vmem_shared>> -> memref<10000x16xf32, #tpu.memory_space<vmem_shared>>
          tpu.enqueue_indirect_dma source(%arg5 : memref<128x16xf32, #tpu.memory_space<vmem>>) target(%dma_start3A_62 : memref<10000x16xf32, #tpu.memory_space<vmem_shared>>) offsets(%dma_start3A_59 : memref<128xi32, #tpu.memory_space<vmem>>) semaphore(%run_scoped3A_57 : memref<!tpu.dma_semaphore, #tpu.memory_space<semaphore_mem>>) {add = true}
          %dma_wait3A = arith.constant 0 : i32
          %dma_wait3A_63 = tpu.memref_slice %arg6[%run_scoped3A_56, %dma_wait3A] : memref<16x128xi32, #tpu.memory_space<vmem>> -> memref<1x128xi32, #tpu.memory_space<vmem>>
          %dma_wait3A_64 = tpu.memref_squeeze %dma_wait3A_63 : memref<1x128xi32, #tpu.memory_space<vmem>> -> memref<128xi32, #tpu.memory_space<vmem>>
          %dma_wait3A_65 = arith.constant 0 : i32
          %dma_wait3A_66 = arith.constant 0 : i32
          %dma_wait3A_67 = tpu.memref_slice %arg7[%dma_wait3A_65, %dma_wait3A_66] : memref<10000x16xf32, #tpu.memory_space<vmem_shared>> -> memref<10000x16xf32, #tpu.memory_space<vmem_shared>>
          tpu.wait_indirect_dma semaphore(%run_scoped3A_57 : memref<!tpu.dma_semaphore, #tpu.memory_space<semaphore_mem>>) src(%arg5 : memref<128x16xf32, #tpu.memory_space<vmem>>) dst(%dma_wait3A_67 : memref<10000x16xf32, #tpu.memory_space<vmem_shared>>)
          tpu.yield
        }) : () -> ()
      } else {
      }
      %scan3A_38 = arith.constant 0 : i32
      scf.yield %scan3A_38 : i32
    }
    %scan3A_17 = arith.constant 5 : i32
    %eq3A_18 = arith.constant 0 : i32
    %eq3A_19 = arith.cmpi eq, %add3A, %eq3A_18 : i32
    %convert_element_type3A_20 = arith.extui %eq3A_19 : i1 to i32
    %cond3A_21 = arith.constant 0 : i32
    %cond3A_22 = arith.cmpi ne, %convert_element_type3A_20, %cond3A_21 : i32
    scf.if %cond3A_22 {
      "tpu.region"() ({
        %run_scoped3A_32 = tpu.sem_alloc : memref<!tpu.dma_semaphore, #tpu.memory_space<semaphore_mem>>
        %dma_start3A = arith.constant 0 : i32
        %dma_start3A_33 = arith.constant 0 : i32
        %dma_start3A_34 = tpu.memref_slice %arg6[%dma_start3A, %dma_start3A_33] : memref<16x128xi32, #tpu.memory_space<vmem>> -> memref<4x128xi32, #tpu.memory_space<vmem>>
        %dma_start3A_35 = arith.constant 2496 : i32
        %dma_start3A_36 = arith.constant 0 : i32
        %dma_start3A_37 = tpu.memref_slice %arg2[%dma_start3A_35, %dma_start3A_36] : memref<2500x128xi32, #tpu.memory_space<hbm>> -> memref<4x128xi32, #tpu.memory_space<hbm>>
        %dma_start3A_38 = arith.constant 0 : i32
        %dma_start3A_39 = arith.constant 0 : i32
        %dma_start3A_40 = tpu.memref_slice %arg6[%dma_start3A_38, %dma_start3A_39] : memref<16x128xi32, #tpu.memory_space<vmem>> -> memref<4x128xi32, #tpu.memory_space<vmem>>
        %dma_start3A_41 = arith.constant 2496 : i32
        %dma_start3A_42 = arith.constant 0 : i32
        %dma_start3A_43 = tpu.memref_slice %arg2[%dma_start3A_41, %dma_start3A_42] : memref<2500x128xi32, #tpu.memory_space<hbm>> -> memref<4x128xi32, #tpu.memory_space<hbm>>
        tpu.enqueue_dma source(%dma_start3A_43 : memref<4x128xi32, #tpu.memory_space<hbm>>) target(%dma_start3A_40 : memref<4x128xi32, #tpu.memory_space<vmem>>) target_semaphore(%run_scoped3A_32 : memref<!tpu.dma_semaphore, #tpu.memory_space<semaphore_mem>>)
        %dma_wait3A = arith.constant 0 : i32
        %dma_wait3A_44 = arith.constant 0 : i32
        %dma_wait3A_45 = tpu.memref_slice %arg6[%dma_wait3A, %dma_wait3A_44] : memref<16x128xi32, #tpu.memory_space<vmem>> -> memref<4x128xi32, #tpu.memory_space<vmem>>
        %dma_wait3A_46 = arith.constant 2496 : i32
        %dma_wait3A_47 = arith.constant 0 : i32
        %dma_wait3A_48 = tpu.memref_slice %arg2[%dma_wait3A_46, %dma_wait3A_47] : memref<2500x128xi32, #tpu.memory_space<hbm>> -> memref<4x128xi32, #tpu.memory_space<hbm>>
        %dma_wait3A_49 = arith.constant 0 : i32
        %dma_wait3A_50 = arith.constant 0 : i32
        %dma_wait3A_51 = tpu.memref_slice %arg6[%dma_wait3A_49, %dma_wait3A_50] : memref<16x128xi32, #tpu.memory_space<vmem>> -> memref<4x128xi32, #tpu.memory_space<vmem>>
        %dma_wait3A_52 = arith.constant 2496 : i32
        %dma_wait3A_53 = arith.constant 0 : i32
        %dma_wait3A_54 = tpu.memref_slice %arg2[%dma_wait3A_52, %dma_wait3A_53] : memref<2500x128xi32, #tpu.memory_space<hbm>> -> memref<4x128xi32, #tpu.memory_space<hbm>>
        tpu.wait_dma2 semaphore(%run_scoped3A_32 : memref<!tpu.dma_semaphore, #tpu.memory_space<semaphore_mem>>) src(%dma_wait3A_54 : memref<4x128xi32, #tpu.memory_space<hbm>>) dst(%dma_wait3A_51 : memref<4x128xi32, #tpu.memory_space<vmem>>)
        tpu.yield
      }) : () -> ()
      %run_scoped3A = arith.constant 0 : i32
      "tpu.region"() ({
        %run_scoped3A_32 = tpu.sem_alloc : memref<!tpu.dma_semaphore, #tpu.memory_space<semaphore_mem>>
        %dma_start3A = arith.constant 0 : i32
        %dma_start3A_33 = tpu.memref_slice %arg6[%run_scoped3A, %dma_start3A] : memref<16x128xi32, #tpu.memory_space<vmem>> -> memref<1x128xi32, #tpu.memory_space<vmem>>
        %dma_start3A_34 = tpu.memref_squeeze %dma_start3A_33 : memref<1x128xi32, #tpu.memory_space<vmem>> -> memref<128xi32, #tpu.memory_space<vmem>>
        %dma_start3A_35 = arith.constant 0 : i32
        %dma_start3A_36 = arith.constant 0 : i32
        %dma_start3A_37 = tpu.memref_slice %arg7[%dma_start3A_35, %dma_start3A_36] : memref<10000x16xf32, #tpu.memory_space<vmem_shared>> -> memref<10000x16xf32, #tpu.memory_space<vmem_shared>>
        tpu.enqueue_indirect_dma source(%arg5 : memref<128x16xf32, #tpu.memory_space<vmem>>) target(%dma_start3A_37 : memref<10000x16xf32, #tpu.memory_space<vmem_shared>>) offsets(%dma_start3A_34 : memref<128xi32, #tpu.memory_space<vmem>>) semaphore(%run_scoped3A_32 : memref<!tpu.dma_semaphore, #tpu.memory_space<semaphore_mem>>) {add = true}
        %dma_wait3A = arith.constant 0 : i32
        %dma_wait3A_38 = tpu.memref_slice %arg6[%run_scoped3A, %dma_wait3A] : memref<16x128xi32, #tpu.memory_space<vmem>> -> memref<1x128xi32, #tpu.memory_space<vmem>>
        %dma_wait3A_39 = tpu.memref_squeeze %dma_wait3A_38 : memref<1x128xi32, #tpu.memory_space<vmem>> -> memref<128xi32, #tpu.memory_space<vmem>>
        %dma_wait3A_40 = arith.constant 0 : i32
        %dma_wait3A_41 = arith.constant 0 : i32
        %dma_wait3A_42 = tpu.memref_slice %arg7[%dma_wait3A_40, %dma_wait3A_41] : memref<10000x16xf32, #tpu.memory_space<vmem_shared>> -> memref<10000x16xf32, #tpu.memory_space<vmem_shared>>
        tpu.wait_indirect_dma semaphore(%run_scoped3A_32 : memref<!tpu.dma_semaphore, #tpu.memory_space<semaphore_mem>>) src(%arg5 : memref<128x16xf32, #tpu.memory_space<vmem>>) dst(%dma_wait3A_42 : memref<10000x16xf32, #tpu.memory_space<vmem_shared>>)
        tpu.yield
      }) : () -> ()
      %run_scoped3A_29 = arith.constant 1 : i32
      "tpu.region"() ({
        %run_scoped3A_32 = tpu.sem_alloc : memref<!tpu.dma_semaphore, #tpu.memory_space<semaphore_mem>>
        %dma_start3A = arith.constant 0 : i32
        %dma_start3A_33 = tpu.memref_slice %arg6[%run_scoped3A_29, %dma_start3A] : memref<16x128xi32, #tpu.memory_space<vmem>> -> memref<1x128xi32, #tpu.memory_space<vmem>>
        %dma_start3A_34 = tpu.memref_squeeze %dma_start3A_33 : memref<1x128xi32, #tpu.memory_space<vmem>> -> memref<128xi32, #tpu.memory_space<vmem>>
        %dma_start3A_35 = arith.constant 0 : i32
        %dma_start3A_36 = arith.constant 0 : i32
        %dma_start3A_37 = tpu.memref_slice %arg7[%dma_start3A_35, %dma_start3A_36] : memref<10000x16xf32, #tpu.memory_space<vmem_shared>> -> memref<10000x16xf32, #tpu.memory_space<vmem_shared>>
        tpu.enqueue_indirect_dma source(%arg5 : memref<128x16xf32, #tpu.memory_space<vmem>>) target(%dma_start3A_37 : memref<10000x16xf32, #tpu.memory_space<vmem_shared>>) offsets(%dma_start3A_34 : memref<128xi32, #tpu.memory_space<vmem>>) semaphore(%run_scoped3A_32 : memref<!tpu.dma_semaphore, #tpu.memory_space<semaphore_mem>>) {add = true}
        %dma_wait3A = arith.constant 0 : i32
        %dma_wait3A_38 = tpu.memref_slice %arg6[%run_scoped3A_29, %dma_wait3A] : memref<16x128xi32, #tpu.memory_space<vmem>> -> memref<1x128xi32, #tpu.memory_space<vmem>>
        %dma_wait3A_39 = tpu.memref_squeeze %dma_wait3A_38 : memref<1x128xi32, #tpu.memory_space<vmem>> -> memref<128xi32, #tpu.memory_space<vmem>>
        %dma_wait3A_40 = arith.constant 0 : i32
        %dma_wait3A_41 = arith.constant 0 : i32
        %dma_wait3A_42 = tpu.memref_slice %arg7[%dma_wait3A_40, %dma_wait3A_41] : memref<10000x16xf32, #tpu.memory_space<vmem_shared>> -> memref<10000x16xf32, #tpu.memory_space<vmem_shared>>
        tpu.wait_indirect_dma semaphore(%run_scoped3A_32 : memref<!tpu.dma_semaphore, #tpu.memory_space<semaphore_mem>>) src(%arg5 : memref<128x16xf32, #tpu.memory_space<vmem>>) dst(%dma_wait3A_42 : memref<10000x16xf32, #tpu.memory_space<vmem_shared>>)
        tpu.yield
      }) : () -> ()
      %run_scoped3A_30 = arith.constant 2 : i32
      "tpu.region"() ({
        %run_scoped3A_32 = tpu.sem_alloc : memref<!tpu.dma_semaphore, #tpu.memory_space<semaphore_mem>>
        %dma_start3A = arith.constant 0 : i32
        %dma_start3A_33 = tpu.memref_slice %arg6[%run_scoped3A_30, %dma_start3A] : memref<16x128xi32, #tpu.memory_space<vmem>> -> memref<1x128xi32, #tpu.memory_space<vmem>>
        %dma_start3A_34 = tpu.memref_squeeze %dma_start3A_33 : memref<1x128xi32, #tpu.memory_space<vmem>> -> memref<128xi32, #tpu.memory_space<vmem>>
        %dma_start3A_35 = arith.constant 0 : i32
        %dma_start3A_36 = arith.constant 0 : i32
        %dma_start3A_37 = tpu.memref_slice %arg7[%dma_start3A_35, %dma_start3A_36] : memref<10000x16xf32, #tpu.memory_space<vmem_shared>> -> memref<10000x16xf32, #tpu.memory_space<vmem_shared>>
        tpu.enqueue_indirect_dma source(%arg5 : memref<128x16xf32, #tpu.memory_space<vmem>>) target(%dma_start3A_37 : memref<10000x16xf32, #tpu.memory_space<vmem_shared>>) offsets(%dma_start3A_34 : memref<128xi32, #tpu.memory_space<vmem>>) semaphore(%run_scoped3A_32 : memref<!tpu.dma_semaphore, #tpu.memory_space<semaphore_mem>>) {add = true}
        %dma_wait3A = arith.constant 0 : i32
        %dma_wait3A_38 = tpu.memref_slice %arg6[%run_scoped3A_30, %dma_wait3A] : memref<16x128xi32, #tpu.memory_space<vmem>> -> memref<1x128xi32, #tpu.memory_space<vmem>>
        %dma_wait3A_39 = tpu.memref_squeeze %dma_wait3A_38 : memref<1x128xi32, #tpu.memory_space<vmem>> -> memref<128xi32, #tpu.memory_space<vmem>>
        %dma_wait3A_40 = arith.constant 0 : i32
        %dma_wait3A_41 = arith.constant 0 : i32
        %dma_wait3A_42 = tpu.memref_slice %arg7[%dma_wait3A_40, %dma_wait3A_41] : memref<10000x16xf32, #tpu.memory_space<vmem_shared>> -> memref<10000x16xf32, #tpu.memory_space<vmem_shared>>
        tpu.wait_indirect_dma semaphore(%run_scoped3A_32 : memref<!tpu.dma_semaphore, #tpu.memory_space<semaphore_mem>>) src(%arg5 : memref<128x16xf32, #tpu.memory_space<vmem>>) dst(%dma_wait3A_42 : memref<10000x16xf32, #tpu.memory_space<vmem_shared>>)
        tpu.yield
      }) : () -> ()
      %run_scoped3A_31 = arith.constant 3 : i32
      "tpu.region"() ({
        %run_scoped3A_32 = tpu.sem_alloc : memref<!tpu.dma_semaphore, #tpu.memory_space<semaphore_mem>>
        %dma_start3A = arith.constant 0 : i32
        %dma_start3A_33 = tpu.memref_slice %arg6[%run_scoped3A_31, %dma_start3A] : memref<16x128xi32, #tpu.memory_space<vmem>> -> memref<1x128xi32, #tpu.memory_space<vmem>>
        %dma_start3A_34 = tpu.memref_squeeze %dma_start3A_33 : memref<1x128xi32, #tpu.memory_space<vmem>> -> memref<128xi32, #tpu.memory_space<vmem>>
        %dma_start3A_35 = arith.constant 0 : i32
        %dma_start3A_36 = arith.constant 0 : i32
        %dma_start3A_37 = tpu.memref_slice %arg7[%dma_start3A_35, %dma_start3A_36] : memref<10000x16xf32, #tpu.memory_space<vmem_shared>> -> memref<10000x16xf32, #tpu.memory_space<vmem_shared>>
        tpu.enqueue_indirect_dma source(%arg5 : memref<128x16xf32, #tpu.memory_space<vmem>>) target(%dma_start3A_37 : memref<10000x16xf32, #tpu.memory_space<vmem_shared>>) offsets(%dma_start3A_34 : memref<128xi32, #tpu.memory_space<vmem>>) semaphore(%run_scoped3A_32 : memref<!tpu.dma_semaphore, #tpu.memory_space<semaphore_mem>>) {add = true}
        %dma_wait3A = arith.constant 0 : i32
        %dma_wait3A_38 = tpu.memref_slice %arg6[%run_scoped3A_31, %dma_wait3A] : memref<16x128xi32, #tpu.memory_space<vmem>> -> memref<1x128xi32, #tpu.memory_space<vmem>>
        %dma_wait3A_39 = tpu.memref_squeeze %dma_wait3A_38 : memref<1x128xi32, #tpu.memory_space<vmem>> -> memref<128xi32, #tpu.memory_space<vmem>>
        %dma_wait3A_40 = arith.constant 0 : i32
        %dma_wait3A_41 = arith.constant 0 : i32
        %dma_wait3A_42 = tpu.memref_slice %arg7[%dma_wait3A_40, %dma_wait3A_41] : memref<10000x16xf32, #tpu.memory_space<vmem_shared>> -> memref<10000x16xf32, #tpu.memory_space<vmem_shared>>
        tpu.wait_indirect_dma semaphore(%run_scoped3A_32 : memref<!tpu.dma_semaphore, #tpu.memory_space<semaphore_mem>>) src(%arg5 : memref<128x16xf32, #tpu.memory_space<vmem>>) dst(%dma_wait3A_42 : memref<10000x16xf32, #tpu.memory_space<vmem_shared>>)
        tpu.yield
      }) : () -> ()
    } else {
    }
    %barrier3A_23 = arith.constant 0 : index
    tpu.barrier barrier_id(%barrier3A_23)
    "tpu.region"() ({
      %run_scoped3A = tpu.sem_alloc : memref<!tpu.dma_semaphore, #tpu.memory_space<semaphore_mem>>
      %dma_start3A = arith.constant 0 : i32
      %dma_start3A_29 = tpu.memref_slice %arg4[%arg0, %multiple_of3A, %dma_start3A] : memref<2x10000x16xf32, #tpu.memory_space<hbm>> -> memref<1x624x16xf32, #tpu.memory_space<hbm>>
      %dma_start3A_30 = tpu.memref_squeeze %dma_start3A_29 : memref<1x624x16xf32, #tpu.memory_space<hbm>> -> memref<624x16xf32, #tpu.memory_space<hbm>>
      %dma_start3A_31 = arith.constant 0 : i32
      %dma_start3A_32 = tpu.memref_slice %arg7[%multiple_of3A, %dma_start3A_31] : memref<10000x16xf32, #tpu.memory_space<vmem_shared>> -> memref<624x16xf32, #tpu.memory_space<vmem_shared>>
      tpu.enqueue_dma source(%dma_start3A_32 : memref<624x16xf32, #tpu.memory_space<vmem_shared>>) target(%dma_start3A_30 : memref<624x16xf32, #tpu.memory_space<hbm>>) target_semaphore(%run_scoped3A : memref<!tpu.dma_semaphore, #tpu.memory_space<semaphore_mem>>)
      %dma_wait3A = arith.constant 0 : i32
      %dma_wait3A_33 = tpu.memref_slice %arg4[%arg0, %multiple_of3A, %dma_wait3A] : memref<2x10000x16xf32, #tpu.memory_space<hbm>> -> memref<1x624x16xf32, #tpu.memory_space<hbm>>
      %dma_wait3A_34 = tpu.memref_squeeze %dma_wait3A_33 : memref<1x624x16xf32, #tpu.memory_space<hbm>> -> memref<624x16xf32, #tpu.memory_space<hbm>>
      %dma_wait3A_35 = arith.constant 0 : i32
      %dma_wait3A_36 = tpu.memref_slice %arg7[%multiple_of3A, %dma_wait3A_35] : memref<10000x16xf32, #tpu.memory_space<vmem_shared>> -> memref<624x16xf32, #tpu.memory_space<vmem_shared>>
      tpu.wait_dma2 semaphore(%run_scoped3A : memref<!tpu.dma_semaphore, #tpu.memory_space<semaphore_mem>>) src(%dma_wait3A_36 : memref<624x16xf32, #tpu.memory_space<vmem_shared>>) dst(%dma_wait3A_34 : memref<624x16xf32, #tpu.memory_space<hbm>>)
      tpu.yield
    }) : () -> ()
    %eq3A_24 = arith.constant 15 : i32
    %eq3A_25 = arith.cmpi eq, %arg1, %eq3A_24 : i32
    %convert_element_type3A_26 = arith.extui %eq3A_25 : i1 to i32
    %cond3A_27 = arith.constant 0 : i32
    %cond3A_28 = arith.cmpi ne, %convert_element_type3A_26, %cond3A_27 : i32
    scf.if %cond3A_28 {
      "tpu.region"() ({
        %run_scoped3A = tpu.sem_alloc : memref<!tpu.dma_semaphore, #tpu.memory_space<semaphore_mem>>
        %dma_start3A = arith.constant 9984 : i32
        %dma_start3A_29 = arith.constant 0 : i32
        %dma_start3A_30 = tpu.memref_slice %arg4[%arg0, %dma_start3A, %dma_start3A_29] : memref<2x10000x16xf32, #tpu.memory_space<hbm>> -> memref<1x16x16xf32, #tpu.memory_space<hbm>>
        %dma_start3A_31 = tpu.memref_squeeze %dma_start3A_30 : memref<1x16x16xf32, #tpu.memory_space<hbm>> -> memref<16x16xf32, #tpu.memory_space<hbm>>
        %dma_start3A_32 = arith.constant 9984 : i32
        %dma_start3A_33 = arith.constant 0 : i32
        %dma_start3A_34 = tpu.memref_slice %arg7[%dma_start3A_32, %dma_start3A_33] : memref<10000x16xf32, #tpu.memory_space<vmem_shared>> -> memref<16x16xf32, #tpu.memory_space<vmem_shared>>
        tpu.enqueue_dma source(%dma_start3A_34 : memref<16x16xf32, #tpu.memory_space<vmem_shared>>) target(%dma_start3A_31 : memref<16x16xf32, #tpu.memory_space<hbm>>) target_semaphore(%run_scoped3A : memref<!tpu.dma_semaphore, #tpu.memory_space<semaphore_mem>>)
        %dma_wait3A = arith.constant 9984 : i32
        %dma_wait3A_35 = arith.constant 0 : i32
        %dma_wait3A_36 = tpu.memref_slice %arg4[%arg0, %dma_wait3A, %dma_wait3A_35] : memref<2x10000x16xf32, #tpu.memory_space<hbm>> -> memref<1x16x16xf32, #tpu.memory_space<hbm>>
        %dma_wait3A_37 = tpu.memref_squeeze %dma_wait3A_36 : memref<1x16x16xf32, #tpu.memory_space<hbm>> -> memref<16x16xf32, #tpu.memory_space<hbm>>
        %dma_wait3A_38 = arith.constant 9984 : i32
        %dma_wait3A_39 = arith.constant 0 : i32
        %dma_wait3A_40 = tpu.memref_slice %arg7[%dma_wait3A_38, %dma_wait3A_39] : memref<10000x16xf32, #tpu.memory_space<vmem_shared>> -> memref<16x16xf32, #tpu.memory_space<vmem_shared>>
        tpu.wait_dma2 semaphore(%run_scoped3A : memref<!tpu.dma_semaphore, #tpu.memory_space<semaphore_mem>>) src(%dma_wait3A_40 : memref<16x16xf32, #tpu.memory_space<vmem_shared>>) dst(%dma_wait3A_37 : memref<16x16xf32, #tpu.memory_space<hbm>>)
        tpu.yield
      }) : () -> ()
    } else {
    }
    return
  }
}

#map = affine_map<(d0, d1) -> (0, 0)>
#map1 = affine_map<(d0, d1) -> (0, 0, 0)>
module attributes {stable_mosaic.version = 14 : i64} {
  func.func @_p1_body(%arg0: i32, %arg1: i32, %arg2: memref<320000x128xf32, #tpu.memory_space<hbm>>, %arg3: memref<1250x2x128xi32, #tpu.memory_space<hbm>>, %arg4: memref<10000x128xf32, #tpu.memory_space<hbm>>, %arg5: memref<2x10000x128xf32, #tpu.memory_space<hbm>>, %arg6: memref<256x128xf32, #tpu.memory_space<vmem>>, %arg7: memref<2x128xi32, #tpu.memory_space<vmem>>, %arg8: memref<10000x128xf32, #tpu.memory_space<vmem_shared>>) attributes {dimension_semantics = [#tpu.dimension_semantics<core_parallel>, #tpu.dimension_semantics<subcore_parallel>], iteration_bounds = array<i64: 2, 16>, scalar_prefetch = 0 : i64, scratch_operands = 3 : i64, tpu.core_type = #tpu.core_type<sc_vector_subcore>, window_params = [{transform_indices = #map}, {transform_indices = #map1}, {transform_indices = #map}, {transform_indices = #map1}]} {
    %mul3A = arith.constant 16 : i32
    %mul3A_0 = arith.muli %arg0, %mul3A : i32
    %add3A = arith.addi %mul3A_0, %arg1 : i32
    %mul3A_1 = arith.constant 624 : i32
    %mul3A_2 = arith.muli %arg1, %mul3A_1 : i32
    %multiple_of3A = tpu.assume_multiple %mul3A_2, 8 : i32
    "tpu.region"() ({
      %run_scoped3A = tpu.sem_alloc : memref<!tpu.dma_semaphore, #tpu.memory_space<semaphore_mem>>
      %dma_start3A = arith.constant 0 : i32
      %dma_start3A_17 = tpu.memref_slice %arg8[%multiple_of3A, %dma_start3A] : memref<10000x128xf32, #tpu.memory_space<vmem_shared>> -> memref<624x128xf32, #tpu.memory_space<vmem_shared>>
      %dma_start3A_18 = arith.constant 0 : i32
      %dma_start3A_19 = tpu.memref_slice %arg4[%multiple_of3A, %dma_start3A_18] : memref<10000x128xf32, #tpu.memory_space<hbm>> -> memref<624x128xf32, #tpu.memory_space<hbm>>
      tpu.enqueue_dma source(%dma_start3A_19 : memref<624x128xf32, #tpu.memory_space<hbm>>) target(%dma_start3A_17 : memref<624x128xf32, #tpu.memory_space<vmem_shared>>) target_semaphore(%run_scoped3A : memref<!tpu.dma_semaphore, #tpu.memory_space<semaphore_mem>>)
      %dma_wait3A = arith.constant 0 : i32
      %dma_wait3A_20 = tpu.memref_slice %arg8[%multiple_of3A, %dma_wait3A] : memref<10000x128xf32, #tpu.memory_space<vmem_shared>> -> memref<624x128xf32, #tpu.memory_space<vmem_shared>>
      %dma_wait3A_21 = arith.constant 0 : i32
      %dma_wait3A_22 = tpu.memref_slice %arg4[%multiple_of3A, %dma_wait3A_21] : memref<10000x128xf32, #tpu.memory_space<hbm>> -> memref<624x128xf32, #tpu.memory_space<hbm>>
      tpu.wait_dma2 semaphore(%run_scoped3A : memref<!tpu.dma_semaphore, #tpu.memory_space<semaphore_mem>>) src(%dma_wait3A_22 : memref<624x128xf32, #tpu.memory_space<hbm>>) dst(%dma_wait3A_20 : memref<624x128xf32, #tpu.memory_space<vmem_shared>>)
      tpu.yield
    }) : () -> ()
    %eq3A = arith.constant 15 : i32
    %eq3A_3 = arith.cmpi eq, %arg1, %eq3A : i32
    %convert_element_type3A = arith.extui %eq3A_3 : i1 to i32
    %cond3A = arith.constant 0 : i32
    %cond3A_4 = arith.cmpi ne, %convert_element_type3A, %cond3A : i32
    scf.if %cond3A_4 {
      "tpu.region"() ({
        %run_scoped3A = tpu.sem_alloc : memref<!tpu.dma_semaphore, #tpu.memory_space<semaphore_mem>>
        %dma_start3A = arith.constant 9984 : i32
        %dma_start3A_17 = arith.constant 0 : i32
        %dma_start3A_18 = tpu.memref_slice %arg8[%dma_start3A, %dma_start3A_17] : memref<10000x128xf32, #tpu.memory_space<vmem_shared>> -> memref<16x128xf32, #tpu.memory_space<vmem_shared>>
        %dma_start3A_19 = arith.constant 9984 : i32
        %dma_start3A_20 = arith.constant 0 : i32
        %dma_start3A_21 = tpu.memref_slice %arg4[%dma_start3A_19, %dma_start3A_20] : memref<10000x128xf32, #tpu.memory_space<hbm>> -> memref<16x128xf32, #tpu.memory_space<hbm>>
        tpu.enqueue_dma source(%dma_start3A_21 : memref<16x128xf32, #tpu.memory_space<hbm>>) target(%dma_start3A_18 : memref<16x128xf32, #tpu.memory_space<vmem_shared>>) target_semaphore(%run_scoped3A : memref<!tpu.dma_semaphore, #tpu.memory_space<semaphore_mem>>)
        %dma_wait3A = arith.constant 9984 : i32
        %dma_wait3A_22 = arith.constant 0 : i32
        %dma_wait3A_23 = tpu.memref_slice %arg8[%dma_wait3A, %dma_wait3A_22] : memref<10000x128xf32, #tpu.memory_space<vmem_shared>> -> memref<16x128xf32, #tpu.memory_space<vmem_shared>>
        %dma_wait3A_24 = arith.constant 9984 : i32
        %dma_wait3A_25 = arith.constant 0 : i32
        %dma_wait3A_26 = tpu.memref_slice %arg4[%dma_wait3A_24, %dma_wait3A_25] : memref<10000x128xf32, #tpu.memory_space<hbm>> -> memref<16x128xf32, #tpu.memory_space<hbm>>
        tpu.wait_dma2 semaphore(%run_scoped3A : memref<!tpu.dma_semaphore, #tpu.memory_space<semaphore_mem>>) src(%dma_wait3A_26 : memref<16x128xf32, #tpu.memory_space<hbm>>) dst(%dma_wait3A_23 : memref<16x128xf32, #tpu.memory_space<vmem_shared>>)
        tpu.yield
      }) : () -> ()
    } else {
    }
    %barrier3A = arith.constant 0 : index
    tpu.barrier barrier_id(%barrier3A)
    %scan3A = arith.constant 0 : i32
    %scan3A_5 = arith.constant 0 : i32
    %scan3A_6 = arith.constant 40 : i32
    %scan3A_7 = arith.addi %scan3A_5, %scan3A_6 : i32
    %scan3A_8 = arith.constant 1 : i32
    %scan3A_9 = scf.for %scan3A_17 = %scan3A_5 to %scan3A_7 step %scan3A_8 iter_args(%scan3A_18 = %scan3A) -> (i32)  : i32 {
      %mul3A_19 = arith.constant 32 : i32
      %mul3A_20 = arith.muli %mul3A_19, %scan3A_17 : i32
      %add3A_21 = arith.addi %add3A, %mul3A_20 : i32
      %lt3A = arith.constant 1250 : i32
      %lt3A_22 = arith.cmpi slt, %add3A_21, %lt3A : i32
      %convert_element_type3A_23 = arith.extui %lt3A_22 : i1 to i32
      %cond3A_24 = arith.constant 0 : i32
      %cond3A_25 = arith.cmpi ne, %convert_element_type3A_23, %cond3A_24 : i32
      scf.if %cond3A_25 {
        "tpu.region"() ({
          %run_scoped3A_31 = tpu.sem_alloc : memref<!tpu.dma_semaphore, #tpu.memory_space<semaphore_mem>>
          %dma_start3A = arith.constant 0 : i32
          %dma_start3A_32 = arith.constant 0 : i32
          %dma_start3A_33 = tpu.memref_slice %arg3[%add3A_21, %dma_start3A, %dma_start3A_32] : memref<1250x2x128xi32, #tpu.memory_space<hbm>> -> memref<1x2x128xi32, #tpu.memory_space<hbm>>
          %dma_start3A_34 = tpu.memref_squeeze %dma_start3A_33 : memref<1x2x128xi32, #tpu.memory_space<hbm>> -> memref<2x128xi32, #tpu.memory_space<hbm>>
          %dma_start3A_35 = arith.constant 0 : i32
          %dma_start3A_36 = arith.constant 0 : i32
          %dma_start3A_37 = tpu.memref_slice %arg3[%add3A_21, %dma_start3A_35, %dma_start3A_36] : memref<1250x2x128xi32, #tpu.memory_space<hbm>> -> memref<1x2x128xi32, #tpu.memory_space<hbm>>
          %dma_start3A_38 = tpu.memref_squeeze %dma_start3A_37 : memref<1x2x128xi32, #tpu.memory_space<hbm>> -> memref<2x128xi32, #tpu.memory_space<hbm>>
          tpu.enqueue_dma source(%dma_start3A_38 : memref<2x128xi32, #tpu.memory_space<hbm>>) target(%arg7 : memref<2x128xi32, #tpu.memory_space<vmem>>) target_semaphore(%run_scoped3A_31 : memref<!tpu.dma_semaphore, #tpu.memory_space<semaphore_mem>>)
          %dma_wait3A = arith.constant 0 : i32
          %dma_wait3A_39 = arith.constant 0 : i32
          %dma_wait3A_40 = tpu.memref_slice %arg3[%add3A_21, %dma_wait3A, %dma_wait3A_39] : memref<1250x2x128xi32, #tpu.memory_space<hbm>> -> memref<1x2x128xi32, #tpu.memory_space<hbm>>
          %dma_wait3A_41 = tpu.memref_squeeze %dma_wait3A_40 : memref<1x2x128xi32, #tpu.memory_space<hbm>> -> memref<2x128xi32, #tpu.memory_space<hbm>>
          %dma_wait3A_42 = arith.constant 0 : i32
          %dma_wait3A_43 = arith.constant 0 : i32
          %dma_wait3A_44 = tpu.memref_slice %arg3[%add3A_21, %dma_wait3A_42, %dma_wait3A_43] : memref<1250x2x128xi32, #tpu.memory_space<hbm>> -> memref<1x2x128xi32, #tpu.memory_space<hbm>>
          %dma_wait3A_45 = tpu.memref_squeeze %dma_wait3A_44 : memref<1x2x128xi32, #tpu.memory_space<hbm>> -> memref<2x128xi32, #tpu.memory_space<hbm>>
          tpu.wait_dma2 semaphore(%run_scoped3A_31 : memref<!tpu.dma_semaphore, #tpu.memory_space<semaphore_mem>>) src(%dma_wait3A_45 : memref<2x128xi32, #tpu.memory_space<hbm>>) dst(%arg7 : memref<2x128xi32, #tpu.memory_space<vmem>>)
          tpu.yield
        }) : () -> ()
        %mul3A_27 = arith.constant 256 : i32
        %mul3A_28 = arith.muli %add3A_21, %mul3A_27 : i32
        %multiple_of3A_29 = tpu.assume_multiple %mul3A_28, 8 : i32
        "tpu.region"() ({
          %run_scoped3A_31 = tpu.sem_alloc : memref<!tpu.dma_semaphore, #tpu.memory_space<semaphore_mem>>
          %dma_start3A = arith.constant 0 : i32
          %dma_start3A_32 = tpu.memref_slice %arg2[%multiple_of3A_29, %dma_start3A] : memref<320000x128xf32, #tpu.memory_space<hbm>> -> memref<256x128xf32, #tpu.memory_space<hbm>>
          %dma_start3A_33 = arith.constant 0 : i32
          %dma_start3A_34 = tpu.memref_slice %arg2[%multiple_of3A_29, %dma_start3A_33] : memref<320000x128xf32, #tpu.memory_space<hbm>> -> memref<256x128xf32, #tpu.memory_space<hbm>>
          tpu.enqueue_dma source(%dma_start3A_34 : memref<256x128xf32, #tpu.memory_space<hbm>>) target(%arg6 : memref<256x128xf32, #tpu.memory_space<vmem>>) target_semaphore(%run_scoped3A_31 : memref<!tpu.dma_semaphore, #tpu.memory_space<semaphore_mem>>)
          %dma_wait3A = arith.constant 0 : i32
          %dma_wait3A_35 = tpu.memref_slice %arg2[%multiple_of3A_29, %dma_wait3A] : memref<320000x128xf32, #tpu.memory_space<hbm>> -> memref<256x128xf32, #tpu.memory_space<hbm>>
          %dma_wait3A_36 = arith.constant 0 : i32
          %dma_wait3A_37 = tpu.memref_slice %arg2[%multiple_of3A_29, %dma_wait3A_36] : memref<320000x128xf32, #tpu.memory_space<hbm>> -> memref<256x128xf32, #tpu.memory_space<hbm>>
          tpu.wait_dma2 semaphore(%run_scoped3A_31 : memref<!tpu.dma_semaphore, #tpu.memory_space<semaphore_mem>>) src(%dma_wait3A_37 : memref<256x128xf32, #tpu.memory_space<hbm>>) dst(%arg6 : memref<256x128xf32, #tpu.memory_space<vmem>>)
          tpu.yield
        }) : () -> ()
        %run_scoped3A = arith.constant 0 : i32
        "tpu.region"() ({
          %run_scoped3A_31 = tpu.sem_alloc : memref<!tpu.dma_semaphore, #tpu.memory_space<semaphore_mem>>
          %dma_start3A = arith.constant 0 : i32
          %dma_start3A_32 = arith.constant 0 : i32
          %dma_start3A_33 = tpu.memref_slice %arg6[%dma_start3A, %dma_start3A_32] : memref<256x128xf32, #tpu.memory_space<vmem>> -> memref<128x128xf32, #tpu.memory_space<vmem>>
          %dma_start3A_34 = arith.constant 0 : i32
          %dma_start3A_35 = tpu.memref_slice %arg7[%run_scoped3A, %dma_start3A_34] : memref<2x128xi32, #tpu.memory_space<vmem>> -> memref<1x128xi32, #tpu.memory_space<vmem>>
          %dma_start3A_36 = tpu.memref_squeeze %dma_start3A_35 : memref<1x128xi32, #tpu.memory_space<vmem>> -> memref<128xi32, #tpu.memory_space<vmem>>
          %dma_start3A_37 = arith.constant 0 : i32
          %dma_start3A_38 = arith.constant 0 : i32
          %dma_start3A_39 = tpu.memref_slice %arg8[%dma_start3A_37, %dma_start3A_38] : memref<10000x128xf32, #tpu.memory_space<vmem_shared>> -> memref<10000x128xf32, #tpu.memory_space<vmem_shared>>
          tpu.enqueue_indirect_dma source(%dma_start3A_33 : memref<128x128xf32, #tpu.memory_space<vmem>>) target(%dma_start3A_39 : memref<10000x128xf32, #tpu.memory_space<vmem_shared>>) offsets(%dma_start3A_36 : memref<128xi32, #tpu.memory_space<vmem>>) semaphore(%run_scoped3A_31 : memref<!tpu.dma_semaphore, #tpu.memory_space<semaphore_mem>>) {add = true}
          %dma_wait3A = arith.constant 0 : i32
          %dma_wait3A_40 = arith.constant 0 : i32
          %dma_wait3A_41 = tpu.memref_slice %arg6[%dma_wait3A, %dma_wait3A_40] : memref<256x128xf32, #tpu.memory_space<vmem>> -> memref<128x128xf32, #tpu.memory_space<vmem>>
          %dma_wait3A_42 = arith.constant 0 : i32
          %dma_wait3A_43 = tpu.memref_slice %arg7[%run_scoped3A, %dma_wait3A_42] : memref<2x128xi32, #tpu.memory_space<vmem>> -> memref<1x128xi32, #tpu.memory_space<vmem>>
          %dma_wait3A_44 = tpu.memref_squeeze %dma_wait3A_43 : memref<1x128xi32, #tpu.memory_space<vmem>> -> memref<128xi32, #tpu.memory_space<vmem>>
          %dma_wait3A_45 = arith.constant 0 : i32
          %dma_wait3A_46 = arith.constant 0 : i32
          %dma_wait3A_47 = tpu.memref_slice %arg8[%dma_wait3A_45, %dma_wait3A_46] : memref<10000x128xf32, #tpu.memory_space<vmem_shared>> -> memref<10000x128xf32, #tpu.memory_space<vmem_shared>>
          tpu.wait_indirect_dma semaphore(%run_scoped3A_31 : memref<!tpu.dma_semaphore, #tpu.memory_space<semaphore_mem>>) src(%dma_wait3A_41 : memref<128x128xf32, #tpu.memory_space<vmem>>) dst(%dma_wait3A_47 : memref<10000x128xf32, #tpu.memory_space<vmem_shared>>)
          tpu.yield
        }) : () -> ()
        %run_scoped3A_30 = arith.constant 1 : i32
        "tpu.region"() ({
          %run_scoped3A_31 = tpu.sem_alloc : memref<!tpu.dma_semaphore, #tpu.memory_space<semaphore_mem>>
          %dma_start3A = arith.constant 128 : i32
          %dma_start3A_32 = arith.constant 0 : i32
          %dma_start3A_33 = tpu.memref_slice %arg6[%dma_start3A, %dma_start3A_32] : memref<256x128xf32, #tpu.memory_space<vmem>> -> memref<128x128xf32, #tpu.memory_space<vmem>>
          %dma_start3A_34 = arith.constant 0 : i32
          %dma_start3A_35 = tpu.memref_slice %arg7[%run_scoped3A_30, %dma_start3A_34] : memref<2x128xi32, #tpu.memory_space<vmem>> -> memref<1x128xi32, #tpu.memory_space<vmem>>
          %dma_start3A_36 = tpu.memref_squeeze %dma_start3A_35 : memref<1x128xi32, #tpu.memory_space<vmem>> -> memref<128xi32, #tpu.memory_space<vmem>>
          %dma_start3A_37 = arith.constant 0 : i32
          %dma_start3A_38 = arith.constant 0 : i32
          %dma_start3A_39 = tpu.memref_slice %arg8[%dma_start3A_37, %dma_start3A_38] : memref<10000x128xf32, #tpu.memory_space<vmem_shared>> -> memref<10000x128xf32, #tpu.memory_space<vmem_shared>>
          tpu.enqueue_indirect_dma source(%dma_start3A_33 : memref<128x128xf32, #tpu.memory_space<vmem>>) target(%dma_start3A_39 : memref<10000x128xf32, #tpu.memory_space<vmem_shared>>) offsets(%dma_start3A_36 : memref<128xi32, #tpu.memory_space<vmem>>) semaphore(%run_scoped3A_31 : memref<!tpu.dma_semaphore, #tpu.memory_space<semaphore_mem>>) {add = true}
          %dma_wait3A = arith.constant 128 : i32
          %dma_wait3A_40 = arith.constant 0 : i32
          %dma_wait3A_41 = tpu.memref_slice %arg6[%dma_wait3A, %dma_wait3A_40] : memref<256x128xf32, #tpu.memory_space<vmem>> -> memref<128x128xf32, #tpu.memory_space<vmem>>
          %dma_wait3A_42 = arith.constant 0 : i32
          %dma_wait3A_43 = tpu.memref_slice %arg7[%run_scoped3A_30, %dma_wait3A_42] : memref<2x128xi32, #tpu.memory_space<vmem>> -> memref<1x128xi32, #tpu.memory_space<vmem>>
          %dma_wait3A_44 = tpu.memref_squeeze %dma_wait3A_43 : memref<1x128xi32, #tpu.memory_space<vmem>> -> memref<128xi32, #tpu.memory_space<vmem>>
          %dma_wait3A_45 = arith.constant 0 : i32
          %dma_wait3A_46 = arith.constant 0 : i32
          %dma_wait3A_47 = tpu.memref_slice %arg8[%dma_wait3A_45, %dma_wait3A_46] : memref<10000x128xf32, #tpu.memory_space<vmem_shared>> -> memref<10000x128xf32, #tpu.memory_space<vmem_shared>>
          tpu.wait_indirect_dma semaphore(%run_scoped3A_31 : memref<!tpu.dma_semaphore, #tpu.memory_space<semaphore_mem>>) src(%dma_wait3A_41 : memref<128x128xf32, #tpu.memory_space<vmem>>) dst(%dma_wait3A_47 : memref<10000x128xf32, #tpu.memory_space<vmem_shared>>)
          tpu.yield
        }) : () -> ()
      } else {
      }
      %scan3A_26 = arith.constant 0 : i32
      scf.yield %scan3A_26 : i32
    }
    %scan3A_10 = arith.constant 40 : i32
    %barrier3A_11 = arith.constant 0 : index
    tpu.barrier barrier_id(%barrier3A_11)
    "tpu.region"() ({
      %run_scoped3A = tpu.sem_alloc : memref<!tpu.dma_semaphore, #tpu.memory_space<semaphore_mem>>
      %dma_start3A = arith.constant 0 : i32
      %dma_start3A_17 = tpu.memref_slice %arg5[%arg0, %multiple_of3A, %dma_start3A] : memref<2x10000x128xf32, #tpu.memory_space<hbm>> -> memref<1x624x128xf32, #tpu.memory_space<hbm>>
      %dma_start3A_18 = tpu.memref_squeeze %dma_start3A_17 : memref<1x624x128xf32, #tpu.memory_space<hbm>> -> memref<624x128xf32, #tpu.memory_space<hbm>>
      %dma_start3A_19 = arith.constant 0 : i32
      %dma_start3A_20 = tpu.memref_slice %arg8[%multiple_of3A, %dma_start3A_19] : memref<10000x128xf32, #tpu.memory_space<vmem_shared>> -> memref<624x128xf32, #tpu.memory_space<vmem_shared>>
      tpu.enqueue_dma source(%dma_start3A_20 : memref<624x128xf32, #tpu.memory_space<vmem_shared>>) target(%dma_start3A_18 : memref<624x128xf32, #tpu.memory_space<hbm>>) target_semaphore(%run_scoped3A : memref<!tpu.dma_semaphore, #tpu.memory_space<semaphore_mem>>)
      %dma_wait3A = arith.constant 0 : i32
      %dma_wait3A_21 = tpu.memref_slice %arg5[%arg0, %multiple_of3A, %dma_wait3A] : memref<2x10000x128xf32, #tpu.memory_space<hbm>> -> memref<1x624x128xf32, #tpu.memory_space<hbm>>
      %dma_wait3A_22 = tpu.memref_squeeze %dma_wait3A_21 : memref<1x624x128xf32, #tpu.memory_space<hbm>> -> memref<624x128xf32, #tpu.memory_space<hbm>>
      %dma_wait3A_23 = arith.constant 0 : i32
      %dma_wait3A_24 = tpu.memref_slice %arg8[%multiple_of3A, %dma_wait3A_23] : memref<10000x128xf32, #tpu.memory_space<vmem_shared>> -> memref<624x128xf32, #tpu.memory_space<vmem_shared>>
      tpu.wait_dma2 semaphore(%run_scoped3A : memref<!tpu.dma_semaphore, #tpu.memory_space<semaphore_mem>>) src(%dma_wait3A_24 : memref<624x128xf32, #tpu.memory_space<vmem_shared>>) dst(%dma_wait3A_22 : memref<624x128xf32, #tpu.memory_space<hbm>>)
      tpu.yield
    }) : () -> ()
    %eq3A_12 = arith.constant 15 : i32
    %eq3A_13 = arith.cmpi eq, %arg1, %eq3A_12 : i32
    %convert_element_type3A_14 = arith.extui %eq3A_13 : i1 to i32
    %cond3A_15 = arith.constant 0 : i32
    %cond3A_16 = arith.cmpi ne, %convert_element_type3A_14, %cond3A_15 : i32
    scf.if %cond3A_16 {
      "tpu.region"() ({
        %run_scoped3A = tpu.sem_alloc : memref<!tpu.dma_semaphore, #tpu.memory_space<semaphore_mem>>
        %dma_start3A = arith.constant 9984 : i32
        %dma_start3A_17 = arith.constant 0 : i32
        %dma_start3A_18 = tpu.memref_slice %arg5[%arg0, %dma_start3A, %dma_start3A_17] : memref<2x10000x128xf32, #tpu.memory_space<hbm>> -> memref<1x16x128xf32, #tpu.memory_space<hbm>>
        %dma_start3A_19 = tpu.memref_squeeze %dma_start3A_18 : memref<1x16x128xf32, #tpu.memory_space<hbm>> -> memref<16x128xf32, #tpu.memory_space<hbm>>
        %dma_start3A_20 = arith.constant 9984 : i32
        %dma_start3A_21 = arith.constant 0 : i32
        %dma_start3A_22 = tpu.memref_slice %arg8[%dma_start3A_20, %dma_start3A_21] : memref<10000x128xf32, #tpu.memory_space<vmem_shared>> -> memref<16x128xf32, #tpu.memory_space<vmem_shared>>
        tpu.enqueue_dma source(%dma_start3A_22 : memref<16x128xf32, #tpu.memory_space<vmem_shared>>) target(%dma_start3A_19 : memref<16x128xf32, #tpu.memory_space<hbm>>) target_semaphore(%run_scoped3A : memref<!tpu.dma_semaphore, #tpu.memory_space<semaphore_mem>>)
        %dma_wait3A = arith.constant 9984 : i32
        %dma_wait3A_23 = arith.constant 0 : i32
        %dma_wait3A_24 = tpu.memref_slice %arg5[%arg0, %dma_wait3A, %dma_wait3A_23] : memref<2x10000x128xf32, #tpu.memory_space<hbm>> -> memref<1x16x128xf32, #tpu.memory_space<hbm>>
        %dma_wait3A_25 = tpu.memref_squeeze %dma_wait3A_24 : memref<1x16x128xf32, #tpu.memory_space<hbm>> -> memref<16x128xf32, #tpu.memory_space<hbm>>
        %dma_wait3A_26 = arith.constant 9984 : i32
        %dma_wait3A_27 = arith.constant 0 : i32
        %dma_wait3A_28 = tpu.memref_slice %arg8[%dma_wait3A_26, %dma_wait3A_27] : memref<10000x128xf32, #tpu.memory_space<vmem_shared>> -> memref<16x128xf32, #tpu.memory_space<vmem_shared>>
        tpu.wait_dma2 semaphore(%run_scoped3A : memref<!tpu.dma_semaphore, #tpu.memory_space<semaphore_mem>>) src(%dma_wait3A_28 : memref<16x128xf32, #tpu.memory_space<vmem_shared>>) dst(%dma_wait3A_25 : memref<16x128xf32, #tpu.memory_space<hbm>>)
        tpu.yield
      }) : () -> ()
    } else {
    }
    return
  }
}

#map = affine_map<(d0, d1) -> (0, 0)>
module attributes {stable_mosaic.version = 14 : i64} {
  func.func @_p3_body(%arg0: i32, %arg1: i32, %arg2: memref<320000x128xf32, #tpu.memory_space<hbm>>, %arg3: memref<2500x128xi32, #tpu.memory_space<hbm>>, %arg4: memref<10000x128xf32, #tpu.memory_space<hbm>>, %arg5: memref<320000x128xf32, #tpu.memory_space<hbm>>, %arg6: memref<128x128xf32, #tpu.memory_space<vmem>>, %arg7: memref<128x128xf32, #tpu.memory_space<vmem>>, %arg8: memref<128xi32, #tpu.memory_space<vmem>>, %arg9: memref<10000x128xf32, #tpu.memory_space<vmem_shared>>) attributes {dimension_semantics = [#tpu.dimension_semantics<core_parallel>, #tpu.dimension_semantics<subcore_parallel>], iteration_bounds = array<i64: 2, 16>, scalar_prefetch = 0 : i64, scratch_operands = 4 : i64, tpu.core_type = #tpu.core_type<sc_vector_subcore>, window_params = [{transform_indices = #map}, {transform_indices = #map}, {transform_indices = #map}, {transform_indices = #map}]} {
    %mul3A = arith.constant 16 : i32
    %mul3A_0 = arith.muli %arg0, %mul3A : i32
    %add3A = arith.addi %mul3A_0, %arg1 : i32
    %mul3A_1 = arith.constant 624 : i32
    %mul3A_2 = arith.muli %arg1, %mul3A_1 : i32
    %multiple_of3A = tpu.assume_multiple %mul3A_2, 8 : i32
    "tpu.region"() ({
      %run_scoped3A = tpu.sem_alloc : memref<!tpu.dma_semaphore, #tpu.memory_space<semaphore_mem>>
      %dma_start3A = arith.constant 0 : i32
      %dma_start3A_11 = tpu.memref_slice %arg9[%multiple_of3A, %dma_start3A] : memref<10000x128xf32, #tpu.memory_space<vmem_shared>> -> memref<624x128xf32, #tpu.memory_space<vmem_shared>>
      %dma_start3A_12 = arith.constant 0 : i32
      %dma_start3A_13 = tpu.memref_slice %arg4[%multiple_of3A, %dma_start3A_12] : memref<10000x128xf32, #tpu.memory_space<hbm>> -> memref<624x128xf32, #tpu.memory_space<hbm>>
      tpu.enqueue_dma source(%dma_start3A_13 : memref<624x128xf32, #tpu.memory_space<hbm>>) target(%dma_start3A_11 : memref<624x128xf32, #tpu.memory_space<vmem_shared>>) target_semaphore(%run_scoped3A : memref<!tpu.dma_semaphore, #tpu.memory_space<semaphore_mem>>)
      %dma_wait3A = arith.constant 0 : i32
      %dma_wait3A_14 = tpu.memref_slice %arg9[%multiple_of3A, %dma_wait3A] : memref<10000x128xf32, #tpu.memory_space<vmem_shared>> -> memref<624x128xf32, #tpu.memory_space<vmem_shared>>
      %dma_wait3A_15 = arith.constant 0 : i32
      %dma_wait3A_16 = tpu.memref_slice %arg4[%multiple_of3A, %dma_wait3A_15] : memref<10000x128xf32, #tpu.memory_space<hbm>> -> memref<624x128xf32, #tpu.memory_space<hbm>>
      tpu.wait_dma2 semaphore(%run_scoped3A : memref<!tpu.dma_semaphore, #tpu.memory_space<semaphore_mem>>) src(%dma_wait3A_16 : memref<624x128xf32, #tpu.memory_space<hbm>>) dst(%dma_wait3A_14 : memref<624x128xf32, #tpu.memory_space<vmem_shared>>)
      tpu.yield
    }) : () -> ()
    %eq3A = arith.constant 15 : i32
    %eq3A_3 = arith.cmpi eq, %arg1, %eq3A : i32
    %convert_element_type3A = arith.extui %eq3A_3 : i1 to i32
    %cond3A = arith.constant 0 : i32
    %cond3A_4 = arith.cmpi ne, %convert_element_type3A, %cond3A : i32
    scf.if %cond3A_4 {
      "tpu.region"() ({
        %run_scoped3A = tpu.sem_alloc : memref<!tpu.dma_semaphore, #tpu.memory_space<semaphore_mem>>
        %dma_start3A = arith.constant 9984 : i32
        %dma_start3A_11 = arith.constant 0 : i32
        %dma_start3A_12 = tpu.memref_slice %arg9[%dma_start3A, %dma_start3A_11] : memref<10000x128xf32, #tpu.memory_space<vmem_shared>> -> memref<16x128xf32, #tpu.memory_space<vmem_shared>>
        %dma_start3A_13 = arith.constant 9984 : i32
        %dma_start3A_14 = arith.constant 0 : i32
        %dma_start3A_15 = tpu.memref_slice %arg4[%dma_start3A_13, %dma_start3A_14] : memref<10000x128xf32, #tpu.memory_space<hbm>> -> memref<16x128xf32, #tpu.memory_space<hbm>>
        tpu.enqueue_dma source(%dma_start3A_15 : memref<16x128xf32, #tpu.memory_space<hbm>>) target(%dma_start3A_12 : memref<16x128xf32, #tpu.memory_space<vmem_shared>>) target_semaphore(%run_scoped3A : memref<!tpu.dma_semaphore, #tpu.memory_space<semaphore_mem>>)
        %dma_wait3A = arith.constant 9984 : i32
        %dma_wait3A_16 = arith.constant 0 : i32
        %dma_wait3A_17 = tpu.memref_slice %arg9[%dma_wait3A, %dma_wait3A_16] : memref<10000x128xf32, #tpu.memory_space<vmem_shared>> -> memref<16x128xf32, #tpu.memory_space<vmem_shared>>
        %dma_wait3A_18 = arith.constant 9984 : i32
        %dma_wait3A_19 = arith.constant 0 : i32
        %dma_wait3A_20 = tpu.memref_slice %arg4[%dma_wait3A_18, %dma_wait3A_19] : memref<10000x128xf32, #tpu.memory_space<hbm>> -> memref<16x128xf32, #tpu.memory_space<hbm>>
        tpu.wait_dma2 semaphore(%run_scoped3A : memref<!tpu.dma_semaphore, #tpu.memory_space<semaphore_mem>>) src(%dma_wait3A_20 : memref<16x128xf32, #tpu.memory_space<hbm>>) dst(%dma_wait3A_17 : memref<16x128xf32, #tpu.memory_space<vmem_shared>>)
        tpu.yield
      }) : () -> ()
    } else {
    }
    %barrier3A = arith.constant 0 : index
    tpu.barrier barrier_id(%barrier3A)
    %scan3A = arith.constant 0 : i32
    %scan3A_5 = arith.constant 0 : i32
    %scan3A_6 = arith.constant 79 : i32
    %scan3A_7 = arith.addi %scan3A_5, %scan3A_6 : i32
    %scan3A_8 = arith.constant 1 : i32
    %scan3A_9 = scf.for %scan3A_11 = %scan3A_5 to %scan3A_7 step %scan3A_8 iter_args(%scan3A_12 = %scan3A) -> (i32)  : i32 {
      %mul3A_13 = arith.constant 32 : i32
      %mul3A_14 = arith.muli %mul3A_13, %scan3A_11 : i32
      %add3A_15 = arith.addi %add3A, %mul3A_14 : i32
      %lt3A = arith.constant 2500 : i32
      %lt3A_16 = arith.cmpi slt, %add3A_15, %lt3A : i32
      %convert_element_type3A_17 = arith.extui %lt3A_16 : i1 to i32
      %cond3A_18 = arith.constant 0 : i32
      %cond3A_19 = arith.cmpi ne, %convert_element_type3A_17, %cond3A_18 : i32
      scf.if %cond3A_19 {
        %mul3A_21 = arith.constant 128 : i32
        %mul3A_22 = arith.muli %add3A_15, %mul3A_21 : i32
        %multiple_of3A_23 = tpu.assume_multiple %mul3A_22, 8 : i32
        "tpu.region"() ({
          %run_scoped3A = tpu.sem_alloc : memref<!tpu.dma_semaphore, #tpu.memory_space<semaphore_mem>>
          %dma_start3A = arith.constant 0 : i32
          %dma_start3A_31 = tpu.memref_slice %arg3[%add3A_15, %dma_start3A] : memref<2500x128xi32, #tpu.memory_space<hbm>> -> memref<1x128xi32, #tpu.memory_space<hbm>>
          %dma_start3A_32 = tpu.memref_squeeze %dma_start3A_31 : memref<1x128xi32, #tpu.memory_space<hbm>> -> memref<128xi32, #tpu.memory_space<hbm>>
          %dma_start3A_33 = arith.constant 0 : i32
          %dma_start3A_34 = tpu.memref_slice %arg3[%add3A_15, %dma_start3A_33] : memref<2500x128xi32, #tpu.memory_space<hbm>> -> memref<1x128xi32, #tpu.memory_space<hbm>>
          %dma_start3A_35 = tpu.memref_squeeze %dma_start3A_34 : memref<1x128xi32, #tpu.memory_space<hbm>> -> memref<128xi32, #tpu.memory_space<hbm>>
          tpu.enqueue_dma source(%dma_start3A_35 : memref<128xi32, #tpu.memory_space<hbm>>) target(%arg8 : memref<128xi32, #tpu.memory_space<vmem>>) target_semaphore(%run_scoped3A : memref<!tpu.dma_semaphore, #tpu.memory_space<semaphore_mem>>)
          %dma_wait3A = arith.constant 0 : i32
          %dma_wait3A_36 = tpu.memref_slice %arg3[%add3A_15, %dma_wait3A] : memref<2500x128xi32, #tpu.memory_space<hbm>> -> memref<1x128xi32, #tpu.memory_space<hbm>>
          %dma_wait3A_37 = tpu.memref_squeeze %dma_wait3A_36 : memref<1x128xi32, #tpu.memory_space<hbm>> -> memref<128xi32, #tpu.memory_space<hbm>>
          %dma_wait3A_38 = arith.constant 0 : i32
          %dma_wait3A_39 = tpu.memref_slice %arg3[%add3A_15, %dma_wait3A_38] : memref<2500x128xi32, #tpu.memory_space<hbm>> -> memref<1x128xi32, #tpu.memory_space<hbm>>
          %dma_wait3A_40 = tpu.memref_squeeze %dma_wait3A_39 : memref<1x128xi32, #tpu.memory_space<hbm>> -> memref<128xi32, #tpu.memory_space<hbm>>
          tpu.wait_dma2 semaphore(%run_scoped3A : memref<!tpu.dma_semaphore, #tpu.memory_space<semaphore_mem>>) src(%dma_wait3A_40 : memref<128xi32, #tpu.memory_space<hbm>>) dst(%arg8 : memref<128xi32, #tpu.memory_space<vmem>>)
          tpu.yield
        }) : () -> ()
        "tpu.region"() ({
          %run_scoped3A = tpu.sem_alloc : memref<!tpu.dma_semaphore, #tpu.memory_space<semaphore_mem>>
          %dma_start3A = arith.constant 0 : i32
          %dma_start3A_31 = tpu.memref_slice %arg2[%multiple_of3A_23, %dma_start3A] : memref<320000x128xf32, #tpu.memory_space<hbm>> -> memref<128x128xf32, #tpu.memory_space<hbm>>
          %dma_start3A_32 = arith.constant 0 : i32
          %dma_start3A_33 = tpu.memref_slice %arg2[%multiple_of3A_23, %dma_start3A_32] : memref<320000x128xf32, #tpu.memory_space<hbm>> -> memref<128x128xf32, #tpu.memory_space<hbm>>
          tpu.enqueue_dma source(%dma_start3A_33 : memref<128x128xf32, #tpu.memory_space<hbm>>) target(%arg6 : memref<128x128xf32, #tpu.memory_space<vmem>>) target_semaphore(%run_scoped3A : memref<!tpu.dma_semaphore, #tpu.memory_space<semaphore_mem>>)
          %dma_wait3A = arith.constant 0 : i32
          %dma_wait3A_34 = tpu.memref_slice %arg2[%multiple_of3A_23, %dma_wait3A] : memref<320000x128xf32, #tpu.memory_space<hbm>> -> memref<128x128xf32, #tpu.memory_space<hbm>>
          %dma_wait3A_35 = arith.constant 0 : i32
          %dma_wait3A_36 = tpu.memref_slice %arg2[%multiple_of3A_23, %dma_wait3A_35] : memref<320000x128xf32, #tpu.memory_space<hbm>> -> memref<128x128xf32, #tpu.memory_space<hbm>>
          tpu.wait_dma2 semaphore(%run_scoped3A : memref<!tpu.dma_semaphore, #tpu.memory_space<semaphore_mem>>) src(%dma_wait3A_36 : memref<128x128xf32, #tpu.memory_space<hbm>>) dst(%arg6 : memref<128x128xf32, #tpu.memory_space<vmem>>)
          tpu.yield
        }) : () -> ()
        "tpu.region"() ({
          %run_scoped3A = tpu.sem_alloc : memref<!tpu.dma_semaphore, #tpu.memory_space<semaphore_mem>>
          %dma_start3A = arith.constant 0 : i32
          %dma_start3A_31 = arith.constant 0 : i32
          %dma_start3A_32 = tpu.memref_slice %arg9[%dma_start3A, %dma_start3A_31] : memref<10000x128xf32, #tpu.memory_space<vmem_shared>> -> memref<10000x128xf32, #tpu.memory_space<vmem_shared>>
          tpu.enqueue_indirect_dma source(%dma_start3A_32 : memref<10000x128xf32, #tpu.memory_space<vmem_shared>>) target(%arg7 : memref<128x128xf32, #tpu.memory_space<vmem>>) offsets(%arg8 : memref<128xi32, #tpu.memory_space<vmem>>) semaphore(%run_scoped3A : memref<!tpu.dma_semaphore, #tpu.memory_space<semaphore_mem>>)
          %dma_wait3A = arith.constant 0 : i32
          %dma_wait3A_33 = arith.constant 0 : i32
          %dma_wait3A_34 = tpu.memref_slice %arg9[%dma_wait3A, %dma_wait3A_33] : memref<10000x128xf32, #tpu.memory_space<vmem_shared>> -> memref<10000x128xf32, #tpu.memory_space<vmem_shared>>
          tpu.wait_indirect_dma semaphore(%run_scoped3A : memref<!tpu.dma_semaphore, #tpu.memory_space<semaphore_mem>>) src(%dma_wait3A_34 : memref<10000x128xf32, #tpu.memory_space<vmem_shared>>) dst(%arg7 : memref<128x128xf32, #tpu.memory_space<vmem>>)
          tpu.yield
        }) : () -> ()
        %scan3A_24 = arith.constant 0 : i32
        %scan3A_25 = arith.constant 0 : i32
        %scan3A_26 = arith.constant 128 : i32
        %scan3A_27 = arith.addi %scan3A_25, %scan3A_26 : i32
        %scan3A_28 = arith.constant 1 : i32
        %scan3A_29 = scf.for %scan3A_31 = %scan3A_25 to %scan3A_27 step %scan3A_28 iter_args(%scan3A_32 = %scan3A_24) -> (i32)  : i32 {
          %get3A = arith.index_cast %scan3A_31 : i32 to index
          %get3A_33 = arith.constant 0 : index
          %get3A_34 = tpu.vector_load %arg6[%get3A, %get3A_33] {strides = array<i32>} : memref<128x128xf32, #tpu.memory_space<vmem>>, vector<1x16xf32>,
          %get3A_35 = vector.shape_cast %get3A_34 : vector<1x16xf32> to vector<16xf32>
          %get3A_36 = arith.index_cast %scan3A_31 : i32 to index
          %get3A_37 = arith.constant 0 : index
          %get3A_38 = tpu.vector_load %arg7[%get3A_36, %get3A_37] {strides = array<i32>} : memref<128x128xf32, #tpu.memory_space<vmem>>, vector<1x16xf32>,
          %get3A_39 = vector.shape_cast %get3A_38 : vector<1x16xf32> to vector<16xf32>
          %mul3A_40 = arith.mulf %get3A_35, %get3A_39 : vector<16xf32>
          %swap3A = arith.index_cast %scan3A_31 : i32 to index
          %swap3A_41 = arith.constant 0 : index
          %swap3A_42 = tpu.vector_load %arg7[%swap3A, %swap3A_41] {strides = array<i32>} : memref<128x128xf32, #tpu.memory_space<vmem>>, vector<1x16xf32>,
          %swap3A_43 = vector.shape_cast %swap3A_42 : vector<1x16xf32> to vector<16xf32>
          %swap3A_44 = vector.shape_cast %mul3A_40 : vector<16xf32> to vector<1x16xf32>
          tpu.vector_store %arg7[%swap3A, %swap3A_41], %swap3A_44 {strides = array<i32>} : memref<128x128xf32, #tpu.memory_space<vmem>>, vector<1x16xf32>,
          %get3A_45 = arith.index_cast %scan3A_31 : i32 to index
          %get3A_46 = arith.constant 16 : index
          %get3A_47 = tpu.vector_load %arg6[%get3A_45, %get3A_46] {strides = array<i32>} : memref<128x128xf32, #tpu.memory_space<vmem>>, vector<1x16xf32>,
          %get3A_48 = vector.shape_cast %get3A_47 : vector<1x16xf32> to vector<16xf32>
          %get3A_49 = arith.index_cast %scan3A_31 : i32 to index
          %get3A_50 = arith.constant 16 : index
          %get3A_51 = tpu.vector_load %arg7[%get3A_49, %get3A_50] {strides = array<i32>} : memref<128x128xf32, #tpu.memory_space<vmem>>, vector<1x16xf32>,
          %get3A_52 = vector.shape_cast %get3A_51 : vector<1x16xf32> to vector<16xf32>
          %mul3A_53 = arith.mulf %get3A_48, %get3A_52 : vector<16xf32>
          %swap3A_54 = arith.index_cast %scan3A_31 : i32 to index
          %swap3A_55 = arith.constant 16 : index
          %swap3A_56 = tpu.vector_load %arg7[%swap3A_54, %swap3A_55] {strides = array<i32>} : memref<128x128xf32, #tpu.memory_space<vmem>>, vector<1x16xf32>,
          %swap3A_57 = vector.shape_cast %swap3A_56 : vector<1x16xf32> to vector<16xf32>
          %swap3A_58 = vector.shape_cast %mul3A_53 : vector<16xf32> to vector<1x16xf32>
          tpu.vector_store %arg7[%swap3A_54, %swap3A_55], %swap3A_58 {strides = array<i32>} : memref<128x128xf32, #tpu.memory_space<vmem>>, vector<1x16xf32>,
          %get3A_59 = arith.index_cast %scan3A_31 : i32 to index
          %get3A_60 = arith.constant 32 : index
          %get3A_61 = tpu.vector_load %arg6[%get3A_59, %get3A_60] {strides = array<i32>} : memref<128x128xf32, #tpu.memory_space<vmem>>, vector<1x16xf32>,
          %get3A_62 = vector.shape_cast %get3A_61 : vector<1x16xf32> to vector<16xf32>
          %get3A_63 = arith.index_cast %scan3A_31 : i32 to index
          %get3A_64 = arith.constant 32 : index
          %get3A_65 = tpu.vector_load %arg7[%get3A_63, %get3A_64] {strides = array<i32>} : memref<128x128xf32, #tpu.memory_space<vmem>>, vector<1x16xf32>,
          %get3A_66 = vector.shape_cast %get3A_65 : vector<1x16xf32> to vector<16xf32>
          %mul3A_67 = arith.mulf %get3A_62, %get3A_66 : vector<16xf32>
          %swap3A_68 = arith.index_cast %scan3A_31 : i32 to index
          %swap3A_69 = arith.constant 32 : index
          %swap3A_70 = tpu.vector_load %arg7[%swap3A_68, %swap3A_69] {strides = array<i32>} : memref<128x128xf32, #tpu.memory_space<vmem>>, vector<1x16xf32>,
          %swap3A_71 = vector.shape_cast %swap3A_70 : vector<1x16xf32> to vector<16xf32>
          %swap3A_72 = vector.shape_cast %mul3A_67 : vector<16xf32> to vector<1x16xf32>
          tpu.vector_store %arg7[%swap3A_68, %swap3A_69], %swap3A_72 {strides = array<i32>} : memref<128x128xf32, #tpu.memory_space<vmem>>, vector<1x16xf32>,
          %get3A_73 = arith.index_cast %scan3A_31 : i32 to index
          %get3A_74 = arith.constant 48 : index
          %get3A_75 = tpu.vector_load %arg6[%get3A_73, %get3A_74] {strides = array<i32>} : memref<128x128xf32, #tpu.memory_space<vmem>>, vector<1x16xf32>,
          %get3A_76 = vector.shape_cast %get3A_75 : vector<1x16xf32> to vector<16xf32>
          %get3A_77 = arith.index_cast %scan3A_31 : i32 to index
          %get3A_78 = arith.constant 48 : index
          %get3A_79 = tpu.vector_load %arg7[%get3A_77, %get3A_78] {strides = array<i32>} : memref<128x128xf32, #tpu.memory_space<vmem>>, vector<1x16xf32>,
          %get3A_80 = vector.shape_cast %get3A_79 : vector<1x16xf32> to vector<16xf32>
          %mul3A_81 = arith.mulf %get3A_76, %get3A_80 : vector<16xf32>
          %swap3A_82 = arith.index_cast %scan3A_31 : i32 to index
          %swap3A_83 = arith.constant 48 : index
          %swap3A_84 = tpu.vector_load %arg7[%swap3A_82, %swap3A_83] {strides = array<i32>} : memref<128x128xf32, #tpu.memory_space<vmem>>, vector<1x16xf32>,
          %swap3A_85 = vector.shape_cast %swap3A_84 : vector<1x16xf32> to vector<16xf32>
          %swap3A_86 = vector.shape_cast %mul3A_81 : vector<16xf32> to vector<1x16xf32>
          tpu.vector_store %arg7[%swap3A_82, %swap3A_83], %swap3A_86 {strides = array<i32>} : memref<128x128xf32, #tpu.memory_space<vmem>>, vector<1x16xf32>,
          %get3A_87 = arith.index_cast %scan3A_31 : i32 to index
          %get3A_88 = arith.constant 64 : index
          %get3A_89 = tpu.vector_load %arg6[%get3A_87, %get3A_88] {strides = array<i32>} : memref<128x128xf32, #tpu.memory_space<vmem>>, vector<1x16xf32>,
          %get3A_90 = vector.shape_cast %get3A_89 : vector<1x16xf32> to vector<16xf32>
          %get3A_91 = arith.index_cast %scan3A_31 : i32 to index
          %get3A_92 = arith.constant 64 : index
          %get3A_93 = tpu.vector_load %arg7[%get3A_91, %get3A_92] {strides = array<i32>} : memref<128x128xf32, #tpu.memory_space<vmem>>, vector<1x16xf32>,
          %get3A_94 = vector.shape_cast %get3A_93 : vector<1x16xf32> to vector<16xf32>
          %mul3A_95 = arith.mulf %get3A_90, %get3A_94 : vector<16xf32>
          %swap3A_96 = arith.index_cast %scan3A_31 : i32 to index
          %swap3A_97 = arith.constant 64 : index
          %swap3A_98 = tpu.vector_load %arg7[%swap3A_96, %swap3A_97] {strides = array<i32>} : memref<128x128xf32, #tpu.memory_space<vmem>>, vector<1x16xf32>,
          %swap3A_99 = vector.shape_cast %swap3A_98 : vector<1x16xf32> to vector<16xf32>
          %swap3A_100 = vector.shape_cast %mul3A_95 : vector<16xf32> to vector<1x16xf32>
          tpu.vector_store %arg7[%swap3A_96, %swap3A_97], %swap3A_100 {strides = array<i32>} : memref<128x128xf32, #tpu.memory_space<vmem>>, vector<1x16xf32>,
          %get3A_101 = arith.index_cast %scan3A_31 : i32 to index
          %get3A_102 = arith.constant 80 : index
          %get3A_103 = tpu.vector_load %arg6[%get3A_101, %get3A_102] {strides = array<i32>} : memref<128x128xf32, #tpu.memory_space<vmem>>, vector<1x16xf32>,
          %get3A_104 = vector.shape_cast %get3A_103 : vector<1x16xf32> to vector<16xf32>
          %get3A_105 = arith.index_cast %scan3A_31 : i32 to index
          %get3A_106 = arith.constant 80 : index
          %get3A_107 = tpu.vector_load %arg7[%get3A_105, %get3A_106] {strides = array<i32>} : memref<128x128xf32, #tpu.memory_space<vmem>>, vector<1x16xf32>,
          %get3A_108 = vector.shape_cast %get3A_107 : vector<1x16xf32> to vector<16xf32>
          %mul3A_109 = arith.mulf %get3A_104, %get3A_108 : vector<16xf32>
          %swap3A_110 = arith.index_cast %scan3A_31 : i32 to index
          %swap3A_111 = arith.constant 80 : index
          %swap3A_112 = tpu.vector_load %arg7[%swap3A_110, %swap3A_111] {strides = array<i32>} : memref<128x128xf32, #tpu.memory_space<vmem>>, vector<1x16xf32>,
          %swap3A_113 = vector.shape_cast %swap3A_112 : vector<1x16xf32> to vector<16xf32>
          %swap3A_114 = vector.shape_cast %mul3A_109 : vector<16xf32> to vector<1x16xf32>
          tpu.vector_store %arg7[%swap3A_110, %swap3A_111], %swap3A_114 {strides = array<i32>} : memref<128x128xf32, #tpu.memory_space<vmem>>, vector<1x16xf32>,
          %get3A_115 = arith.index_cast %scan3A_31 : i32 to index
          %get3A_116 = arith.constant 96 : index
          %get3A_117 = tpu.vector_load %arg6[%get3A_115, %get3A_116] {strides = array<i32>} : memref<128x128xf32, #tpu.memory_space<vmem>>, vector<1x16xf32>,
          %get3A_118 = vector.shape_cast %get3A_117 : vector<1x16xf32> to vector<16xf32>
          %get3A_119 = arith.index_cast %scan3A_31 : i32 to index
          %get3A_120 = arith.constant 96 : index
          %get3A_121 = tpu.vector_load %arg7[%get3A_119, %get3A_120] {strides = array<i32>} : memref<128x128xf32, #tpu.memory_space<vmem>>, vector<1x16xf32>,
          %get3A_122 = vector.shape_cast %get3A_121 : vector<1x16xf32> to vector<16xf32>
          %mul3A_123 = arith.mulf %get3A_118, %get3A_122 : vector<16xf32>
          %swap3A_124 = arith.index_cast %scan3A_31 : i32 to index
          %swap3A_125 = arith.constant 96 : index
          %swap3A_126 = tpu.vector_load %arg7[%swap3A_124, %swap3A_125] {strides = array<i32>} : memref<128x128xf32, #tpu.memory_space<vmem>>, vector<1x16xf32>,
          %swap3A_127 = vector.shape_cast %swap3A_126 : vector<1x16xf32> to vector<16xf32>
          %swap3A_128 = vector.shape_cast %mul3A_123 : vector<16xf32> to vector<1x16xf32>
          tpu.vector_store %arg7[%swap3A_124, %swap3A_125], %swap3A_128 {strides = array<i32>} : memref<128x128xf32, #tpu.memory_space<vmem>>, vector<1x16xf32>,
          %get3A_129 = arith.index_cast %scan3A_31 : i32 to index
          %get3A_130 = arith.constant 112 : index
          %get3A_131 = tpu.vector_load %arg6[%get3A_129, %get3A_130] {strides = array<i32>} : memref<128x128xf32, #tpu.memory_space<vmem>>, vector<1x16xf32>,
          %get3A_132 = vector.shape_cast %get3A_131 : vector<1x16xf32> to vector<16xf32>
          %get3A_133 = arith.index_cast %scan3A_31 : i32 to index
          %get3A_134 = arith.constant 112 : index
          %get3A_135 = tpu.vector_load %arg7[%get3A_133, %get3A_134] {strides = array<i32>} : memref<128x128xf32, #tpu.memory_space<vmem>>, vector<1x16xf32>,
          %get3A_136 = vector.shape_cast %get3A_135 : vector<1x16xf32> to vector<16xf32>
          %mul3A_137 = arith.mulf %get3A_132, %get3A_136 : vector<16xf32>
          %swap3A_138 = arith.index_cast %scan3A_31 : i32 to index
          %swap3A_139 = arith.constant 112 : index
          %swap3A_140 = tpu.vector_load %arg7[%swap3A_138, %swap3A_139] {strides = array<i32>} : memref<128x128xf32, #tpu.memory_space<vmem>>, vector<1x16xf32>,
          %swap3A_141 = vector.shape_cast %swap3A_140 : vector<1x16xf32> to vector<16xf32>
          %swap3A_142 = vector.shape_cast %mul3A_137 : vector<16xf32> to vector<1x16xf32>
          tpu.vector_store %arg7[%swap3A_138, %swap3A_139], %swap3A_142 {strides = array<i32>} : memref<128x128xf32, #tpu.memory_space<vmem>>, vector<1x16xf32>,
          %scan3A_143 = arith.constant 0 : i32
          scf.yield %scan3A_143 : i32
        }
        %scan3A_30 = arith.constant 128 : i32
        "tpu.region"() ({
          %run_scoped3A = tpu.sem_alloc : memref<!tpu.dma_semaphore, #tpu.memory_space<semaphore_mem>>
          %dma_start3A = arith.constant 0 : i32
          %dma_start3A_31 = tpu.memref_slice %arg5[%multiple_of3A_23, %dma_start3A] : memref<320000x128xf32, #tpu.memory_space<hbm>> -> memref<128x128xf32, #tpu.memory_space<hbm>>
          %dma_start3A_32 = arith.constant 0 : i32
          %dma_start3A_33 = tpu.memref_slice %arg5[%multiple_of3A_23, %dma_start3A_32] : memref<320000x128xf32, #tpu.memory_space<hbm>> -> memref<128x128xf32, #tpu.memory_space<hbm>>
          tpu.enqueue_dma source(%arg7 : memref<128x128xf32, #tpu.memory_space<vmem>>) target(%dma_start3A_33 : memref<128x128xf32, #tpu.memory_space<hbm>>) target_semaphore(%run_scoped3A : memref<!tpu.dma_semaphore, #tpu.memory_space<semaphore_mem>>)
          %dma_wait3A = arith.constant 0 : i32
          %dma_wait3A_34 = tpu.memref_slice %arg5[%multiple_of3A_23, %dma_wait3A] : memref<320000x128xf32, #tpu.memory_space<hbm>> -> memref<128x128xf32, #tpu.memory_space<hbm>>
          %dma_wait3A_35 = arith.constant 0 : i32
          %dma_wait3A_36 = tpu.memref_slice %arg5[%multiple_of3A_23, %dma_wait3A_35] : memref<320000x128xf32, #tpu.memory_space<hbm>> -> memref<128x128xf32, #tpu.memory_space<hbm>>
          tpu.wait_dma2 semaphore(%run_scoped3A : memref<!tpu.dma_semaphore, #tpu.memory_space<semaphore_mem>>) src(%arg7 : memref<128x128xf32, #tpu.memory_space<vmem>>) dst(%dma_wait3A_36 : memref<128x128xf32, #tpu.memory_space<hbm>>)
          tpu.yield
        }) : () -> ()
      } else {
      }
      %scan3A_20 = arith.constant 0 : i32
      scf.yield %scan3A_20 : i32
    }
    %scan3A_10 = arith.constant 79 : i32
    return
  }
}

module attributes {stable_mosaic.version = 14 : i64} {
  func.func @_mlp_body(%arg0: memref<2x10000x128xf32, #tpu.memory_space<vmem>>, %arg1: memref<2x10000x16xf32, #tpu.memory_space<vmem>>, %arg2: memref<128x128xf32, #tpu.memory_space<vmem>>, %arg3: memref<1x128xf32, #tpu.memory_space<vmem>>, %arg4: memref<128x128xf32, #tpu.memory_space<vmem>>, %arg5: memref<1x128xf32, #tpu.memory_space<vmem>>, %arg6: memref<10000x128xf32, #tpu.memory_space<vmem>>) attributes {dimension_semantics = [], scalar_prefetch = 0 : i64, scratch_operands = 0 : i64, tpu.core_type = #tpu.core_type<tc>} {
    %get3A = arith.constant 0 : index
    %get3A_0 = arith.constant 0 : index
    %get3A_1 = arith.constant 0 : index
    %get3A_2 = vector.load %arg0[%get3A, %get3A_0, %get3A_1] : memref<2x10000x128xf32, #tpu.memory_space<vmem>>, vector<1x10000x128xf32>
    %get3A_3 = vector.shape_cast %get3A_2 : vector<1x10000x128xf32> to vector<10000x128xf32>
    %get3A_4 = arith.constant 1 : index
    %get3A_5 = arith.constant 0 : index
    %get3A_6 = arith.constant 0 : index
    %get3A_7 = vector.load %arg0[%get3A_4, %get3A_5, %get3A_6] : memref<2x10000x128xf32, #tpu.memory_space<vmem>>, vector<1x10000x128xf32>
    %get3A_8 = vector.shape_cast %get3A_7 : vector<1x10000x128xf32> to vector<10000x128xf32>
    %add3A = arith.addf %get3A_3, %get3A_8 : vector<10000x128xf32>
    %get3A_9 = arith.constant 0 : index
    %get3A_10 = arith.constant 0 : index
    %get3A_11 = arith.constant 0 : index
    %get3A_12 = vector.load %arg1[%get3A_9, %get3A_10, %get3A_11] : memref<2x10000x16xf32, #tpu.memory_space<vmem>>, vector<1x10000x1xf32>
    %get3A_13 = vector.shape_cast %get3A_12 : vector<1x10000x1xf32> to vector<10000x1xf32>
    %get3A_14 = arith.constant 1 : index
    %get3A_15 = arith.constant 0 : index
    %get3A_16 = arith.constant 0 : index
    %get3A_17 = vector.load %arg1[%get3A_14, %get3A_15, %get3A_16] : memref<2x10000x16xf32, #tpu.memory_space<vmem>>, vector<1x10000x1xf32>
    %get3A_18 = vector.shape_cast %get3A_17 : vector<1x10000x1xf32> to vector<10000x1xf32>
    %add3A_19 = arith.addf %get3A_13, %get3A_18 : vector<10000x1xf32>
    %max3A = arith.constant 1.000000e+00 : f32
    %max3A_20 = vector.broadcast %max3A : f32 to vector<10000x1xf32>
    %max3A_21 = arith.maximumf %add3A_19, %max3A_20 : vector<10000x1xf32>
    %div3A = vector.broadcast %max3A_21 : vector<10000x1xf32> to vector<10000x128xf32>
    %div3A_22 = arith.divf %add3A, %div3A : vector<10000x128xf32>
    %get3A_23 = arith.constant 0 : index
    %get3A_24 = arith.constant 0 : index
    %get3A_25 = vector.load %arg2[%get3A_23, %get3A_24] : memref<128x128xf32, #tpu.memory_space<vmem>>, vector<128x128xf32>
    %dot_general3A = arith.constant dense<0.000000e+00> : vector<10000x128xf32>
    %dot_general3A_26 = tpu.matmul %div3A_22, %get3A_25, %dot_general3A {dimension_numbers = #tpu.dot_dimension_numbers<[1], [0], [0], [1], [0, 0, 1, 1], [], []>, transpose_lhs_hint = false} : vector<10000x128xf32>, vector<128x128xf32>, vector<10000x128xf32> -> vector<10000x128xf32>
    %get3A_27 = arith.constant 0 : index
    %get3A_28 = arith.constant 0 : index
    %get3A_29 = vector.load %arg3[%get3A_27, %get3A_28] : memref<1x128xf32, #tpu.memory_space<vmem>>, vector<1x128xf32>
    %add3A_30 = vector.broadcast %get3A_29 : vector<1x128xf32> to vector<10000x128xf32>
    %add3A_31 = arith.addf %dot_general3A_26, %add3A_30 : vector<10000x128xf32>
    %max3A_32 = arith.constant 0.000000e+00 : f32
    %max3A_33 = vector.broadcast %max3A_32 : f32 to vector<10000x128xf32>
    %max3A_34 = arith.maximumf %add3A_31, %max3A_33 : vector<10000x128xf32>
    %get3A_35 = arith.constant 0 : index
    %get3A_36 = arith.constant 0 : index
    %get3A_37 = vector.load %arg4[%get3A_35, %get3A_36] : memref<128x128xf32, #tpu.memory_space<vmem>>, vector<128x128xf32>
    %dot_general3A_38 = arith.constant dense<0.000000e+00> : vector<10000x128xf32>
    %dot_general3A_39 = tpu.matmul %max3A_34, %get3A_37, %dot_general3A_38 {dimension_numbers = #tpu.dot_dimension_numbers<[1], [0], [0], [1], [0, 0, 1, 1], [], []>, transpose_lhs_hint = false} : vector<10000x128xf32>, vector<128x128xf32>, vector<10000x128xf32> -> vector<10000x128xf32>
    %get3A_40 = arith.constant 0 : index
    %get3A_41 = arith.constant 0 : index
    %get3A_42 = vector.load %arg5[%get3A_40, %get3A_41] : memref<1x128xf32, #tpu.memory_space<vmem>>, vector<1x128xf32>
    %add3A_43 = vector.broadcast %get3A_42 : vector<1x128xf32> to vector<10000x128xf32>
    %add3A_44 = arith.addf %dot_general3A_39, %add3A_43 : vector<10000x128xf32>
    %neg3A = arith.constant 0.000000e+00 : f32
    %neg3A_45 = vector.broadcast %neg3A : f32 to vector<10000x128xf32>
    %neg3A_46 = arith.subf %neg3A_45, %add3A_44 : vector<10000x128xf32>
    %exp3A = math.exp %neg3A_46 : vector<10000x128xf32>
    %add3A_47 = arith.constant 1.000000e+00 : f32
    %add3A_48 = vector.broadcast %add3A_47 : f32 to vector<10000x128xf32>
    %add3A_49 = arith.addf %add3A_48, %exp3A : vector<10000x128xf32>
    %div3A_50 = arith.constant 1.000000e+00 : f32
    %div3A_51 = vector.broadcast %div3A_50 : f32 to vector<10000x128xf32>
    %div3A_52 = arith.divf %div3A_51, %add3A_49 : vector<10000x128xf32>
    %swap3A = arith.constant 0 : index
    %swap3A_53 = arith.constant 0 : index
    %swap3A_54 = vector.load %arg6[%swap3A, %swap3A_53] : memref<10000x128xf32, #tpu.memory_space<vmem>>, vector<10000x128xf32>
    tpu.vector_store %arg6[%swap3A, %swap3A_53], %div3A_52 {strides = array<i32>} : memref<10000x128xf32, #tpu.memory_space<vmem>>, vector<10000x128xf32>,
    return
  }
}

</mosaic_0001>

<sc_bundles>
// kernel: kernel.12.cloned.1.call-start
scs
__scs_entry_jumppad:
0x0: {  	(pc) =	sbr.rel $0x88, $3  }
0x1: {  	(tag) =	ssettag $0x0;
	lr =	simm.s32 $0x1  }
0x2: {  	[smem:$0x3F9B] =	sst lr;
	_ =	strace $0xD0000000  }
0x3: {  	_ = 	snop  }
0x4: {  	_ = 	snop  }
0x5: {  	_ = 	snop  }
0x6: {  	_ = 	snop  }
0x7: {  	_ = 	snop  }
__scs_overlays_trampoline_lowered:
0x8: {  	[smem:$0x3FAA] =	sst s0  }
0x9: {  	[smem:$0x3FAB] =	sst s1  }
0xa: {  	[smem:$0x3FAC] =	sst s2  }
0xb: {  	[smem:$0x3FAD] =	sst s3  }
0xc: {  	[smem:$0x3FAE] =	sst s4  }
0xd: {  	[smem:$0x3FAF] =	sst s5  }
0xe: {  	[smem:$0x3FB0] =	sst s6  }
0xf: {  	[smem:$0x3FB1] =	sst s7  }
0x10: {  	[smem:$0x3FB2] =	sst s8  }
0x11: {  	[smem:$0x3FB3] =	sst s9;
	s0 =	simm.s32 @!p0 $0x0  }
0x12: {  	s1 =	sld [smem:$0x3F99];
	s0 =	simm.s32 @p0 $0x1  }
0x13: {  	[smem:$0x3FB4] =	sst s0;
	s0 =	simm.s32 @!p1 $0x0  }
0x14: {  	s2 =	sld [smem:$0x3F98];
	s0 =	simm.s32 @p1 $0x1  }
0x15: {  	[smem:$0x3FB5] =	sst s0;
	s0 =	simm.s32 @!p2 $0x0  }
0x16: {  	s3 =	sld [smem:$0x3FDB];
	s0 =	simm.s32 @p2 $0x1  }
0x17: {  	s4 =	simm.s32 $0x1BF5;
	[smem:$0x3FB7] =	sst s0  }
0x18: {  	s0 =	sld [smem:$0x3F9A];
	_ =	swait.ge [sflag:s4], $0x0  }
0x19: {  	s7 =	sld [smem:$0x3F9B]  }
0x1a: {  	s8 =	sadd.s32 $0xFFFFE003, lr  }
0x1b: {  	s9 =	sadd.s32 $0xFFFFFEF7, lr;
	s5 =	simm.s32 $0xFFFFFFFF;
	p2 =	slt.u32 s8, $0xFFFFF086  }
0x1c: {  	p1 =	slt.u32 s9, $0xF7A;
	s5 =	simm.s32 @!p2 $0x0  }
0x1d: {  	s5 =	simm.s32 @p1 $0x1;
	p0 =	seq.s32 s7, s2  }
0x1e: {  	s7 =	smul.u32 @!p0 $0xF7A, s2;
	p2 =	seq.s32 @!p0 s5, $0x0  }
0x1f: {  	s9 =	smul.u32 $0xF7A, s1;
	s8 =	simm.s32 @!p0 $0x1BF5;
	p2 =	por !p2, p0  }
0x20: {  	[sflag:s8] =	ssyncset.s32 @!p0 $0xFFFFF086;
	s6 =	sadd.s32 @!p0 s3, s7;
	s7 =	simm.s32 @!p0 $0x108  }
0x21: {  	s3 =	sadd.s32 s3, s9;
	s6 =	sadd.s32 @!p0 $0x88, s6;
	s7 =	simm.s32 @p2 $0x1082  }
0x22: {  	[simem:s7], [sflag:s8] =	dma.local @!p0 [hbm:s6], $0xF7A  }
0x23: {  	s9 =	sor.u32 $0xD0000000, s2;
	s6 =	simm.s32 $0x108;
	_ =	swait.ge @!p0 [sflag:s8], $0x0  }
0x24: {  	s3 =	sadd.s32 $0x88, s3;
	s6 =	simm.s32 @!p1 $0x1082;
	[sflag:s4] =	ssyncset.s32 $0xFFFFF086  }
0x25: {  	[simem:s6], [sflag:s4] =	dma.local [hbm:s3], $0xF7A  }
0x26: {  	[smem:$0x3F9B] =	sst s1;
	(tag) =	ssettag s2;
	_ =	strace s9  }
0x27: {  	s1 =	sld [smem:$0x3FAB]  }
0x28: {  	s2 =	sld [smem:$0x3FAC]  }
0x29: {  	s4 =	sld [smem:$0x3FAE]  }
0x2a: {  	p0 =	seq.s32 s5, $0x0;
	s5 =	sld [smem:$0x3FAF]  }
0x2b: {  	s6 =	sld [smem:$0x3FB0]  }
0x2c: {  	s7 =	sld [smem:$0x3FB1]  }
0x2d: {  	s3 =	simm.s32 $0x108;
	s8 =	sld [smem:$0x3FB2]  }
0x2e: {  	s3 =	simm.s32 @!p0 $0x1082;
	s9 =	sld [smem:$0x3FB3]  }
0x2f: {  	lr =	sadd.s32 s0, s3;
	s0 =	sld [smem:$0x3FAA]  }
0x30: {  	s3 =	sld [smem:$0x3FAD]  }
0x31: {  	[smem:$0x3FB6] =	sst s10  }
0x32: {  	s10 =	sld [smem:$0x3FB4];
	_ =	sdelay $0x3  }
0x33: {  	p0 =	seq.s32 s10, $0x1;
	s10 =	sld [smem:$0x3FB6];
	_ =	sdelay $0x3  }
0x34: {  	[smem:$0x3FB6] =	sst s10  }
0x35: {  	s10 =	sld [smem:$0x3FB5];
	_ =	sdelay $0x3  }
0x36: {  	p1 =	seq.s32 s10, $0x1;
	s10 =	sld [smem:$0x3FB6];
	_ =	sdelay $0x3  }
0x37: {  	[smem:$0x3FB6] =	sst s10  }
0x38: {  	s10 =	sld [smem:$0x3FB7]  }
0x39: {  	_ = 	snop;
	(pc) =	sbr.ind lr, $3  }
0x3a: {  	_ = 	snop  }
0x3b: {  	_ = 	snop  }
0x3c: {  	p2 =	seq.s32 s10, $0x1;
	s10 =	sld [smem:$0x3FB6]  }
0x3d: {  	_ =	shalt  }
0x3e: {  	_ =	shalt  }
0x3f: {  	_ =	shalt  }
0x40: {  	_ =	shalt  }
0x41: {  	_ =	shalt  }
0x42: {  	_ =	shalt  }
0x43: {  	_ =	shalt  }
0x44: {  	_ =	shalt  }
0x45: {  	_ =	shalt  }
0x46: {  	_ =	shalt  }
0x47: {  	_ =	shalt  }
0x48: {  	_ =	shalt  }
0x49: {  	_ =	shalt  }
0x4a: {  	_ =	shalt  }
0x4b: {  	_ =	shalt  }
0x4c: {  	_ =	shalt  }
0x4d: {  	_ =	shalt  }
0x4e: {  	_ =	shalt  }
0x4f: {  	_ =	shalt  }
0x50: {  	_ =	shalt  }
0x51: {  	_ =	shalt  }
0x52: {  	_ =	shalt  }
0x53: {  	_ =	shalt  }
0x54: {  	_ =	shalt  }
0x55: {  	_ =	shalt  }
0x56: {  	_ =	shalt  }
0x57: {  	_ =	shalt  }
0x58: {  	_ =	shalt  }
0x59: {  	_ =	shalt  }
0x5a: {  	_ =	shalt  }
0x5b: {  	_ =	shalt  }
0x5c: {  	_ =	shalt  }
0x5d: {  	_ =	shalt  }
0x5e: {  	_ =	shalt  }
0x5f: {  	_ =	shalt  }
0x60: {  	_ =	shalt  }
0x61: {  	_ =	shalt  }
0x62: {  	_ =	shalt  }
0x63: {  	_ =	shalt  }
0x64: {  	_ =	shalt  }
0x65: {  	_ =	shalt  }
0x66: {  	_ =	shalt  }
0x67: {  	_ =	shalt  }
0x68: {  	_ =	shalt  }
0x69: {  	_ =	shalt  }
0x6a: {  	_ =	shalt  }
0x6b: {  	_ =	shalt  }
0x6c: {  	_ =	shalt  }
0x6d: {  	_ =	shalt  }
0x6e: {  	_ =	shalt  }
0x6f: {  	_ =	shalt  }
0x70: {  	_ =	shalt  }
0x71: {  	_ =	shalt  }
0x72: {  	_ =	shalt  }
0x73: {  	_ =	shalt  }
0x74: {  	_ =	shalt  }
0x75: {  	_ =	shalt  }
0x76: {  	_ =	shalt  }
0x77: {  	_ =	shalt  }
0x78: {  	_ =	shalt  }
0x79: {  	_ =	shalt  }
0x7a: {  	_ =	shalt  }
0x7b: {  	_ =	shalt  }
0x7c: {  	_ =	shalt  }
0x7d: {  	_ =	shalt  }
0x7e: {  	_ =	shalt  }
0x7f: {  	_ =	shalt  }
0x80: {  	_ =	shalt  }
0x81: {  	_ =	shalt  }
0x82: {  	_ =	shalt  }
0x83: {  	_ =	shalt  }
0x84: {  	_ =	shalt  }
0x85: {  	_ =	shalt  }
0x86: {  	_ =	shalt  }
0x87: {  	_ =	shalt  }
.Lfunc_end0:
.L_simem_size_0:
called_computation.2_lowered:
.L_overlay_start_0:
0x88: {  	s2 =	sld [smem:$0x3FD9]  }
0x89: {  	s3 =	sld [smem:$0x3FFE];
	_ =	sdelay $0x1  }
0x8a: {  	s1 =	srdreg.scid  }
0x8b: {  	s0 =	sand.u32 $0x1, s1  }
0x8c: {  	s17 =	sshll.u32 s0, $0xA;
	s2 =	sadd.s32 s3, s2  }
0x8d: {  	s2 =	sadd.s32 s2, s17  }
0x8e: {  	[smem:$0x3FC2] =	sst s2  }
0x8f: {  	_ = 	snop  }
0x90: {  	s2 =	sld [smem:$0x3FC9]  }
0x91: {  	s18 =	sld [smem:$0x3FC8]  }
0x92: {  	s4 =	sld [smem:$0x3FD0];
	(tm) =	ssettm $0x1  }
0x93: {  	s5 =	sld [smem:$0x3FFB];
	_ =	sdelay $0x3  }
0x94: {  	_ =	strace s5  }
0x95: {  	s5 =	sld [smem:$0x3FFC];
	_ =	sdelay $0x3  }
0x96: {  	_ =	strace s5  }
0x97: {  	s5 =	sld [smem:$0x3FFD];
	_ =	sdelay $0x3  }
0x98: {  	_ =	strace s5  }
0x99: {  	_ =	strace $0x8FFFFFFF  }
0x9a: {  	s19 =	sld [smem:$0x3FDB];
	_ =	sdelay $0x1  }
0x9b: {  	s6 =	simm.s32 $_scs_section_size  }
0x9c: {  	s7 =	simm.s32 $_size__tile_overlayer_lowered;
	s8 =	simm.s32 $_tile_overlayer_lowered  }
0x9d: {  	s22 =	simm.s32 $0x1BFF;
	s21 =	sshll.u32 s8, $0x1;
	s5 =	sadd.s32 s6, s19  }
0x9e: {  	s9 =	simm.s32 $0x0;
	s20 =	sshll.u32 s7, $0x1;
	s7 =	sadd.s32 s21, s5  }
0x9f: {  	[timem:s9], [sflag:s22] =	dma.local [hbm:s7], s20  }
0xa0: {  	_ =	swait.ge [sflag:s22], s20  }
0xa1: {  	s6 =	ssub.s32 $0x0, s20;
	[sflag:s22] =	ssyncset.done $0x0  }
0xa2: {  	[sflag:s22] =	ssyncadd.s32 s6;
	_ =	sdelay $0x1  }
0xa3: {  	s23 =	simm.s32 $0x1B8B  }
0xa4: {  	_ =	swait.ge [sflag:s23], $0x1  }
0xa5: {  	[sflag:s23] =	ssyncset.done $0x0  }
0xa6: {  	s25 =	simm.s32 $0x1B8E;
	s24 =	sld [smem:$0x3FFE];
	[sflag:s23] =	ssyncadd.s32 $0xFFFFFFFF  }
0xa7: {  	s26 =	simm.s32 $execute0_lowered;
	[smem:$0x3FD2] =	sst s25  }
0xa8: {  	s7 =	sshll.u32 s26, $0x1;
	_ =	strace $0x8000004C;
	[dreg:$0x1] =	wrdreg $0xFFFFFFFF  }
0xa9: {  	s28 =	simm.s32 $_size_execute0_lowered;
	s5 =	sadd.s32 s5, s7;
	[dreg:$0x0] =	wrdreg $0x0  }
0xaa: {  	s7 =	sshll.u32 s28, $0x1;
	[dreg:$0x2] =	wrdreg s5  }
0xab: {  	[dreg:$0x3] =	wrdreg s7  }
0xac: {  	[dreg:$0x4] =	wrdreg $0xC0  }
0xad: {  	_ =	task [dreg:s9], $0x5FFFF  }
0xae: {  	[dreg:$0x1] =	wrdreg $0xFFFFFFFF  }
0xaf: {  	[dreg:$0x0] =	wrdreg $0x60  }
0xb0: {  	[dreg:$0x2] =	wrdreg s2  }
0xb1: {  	[dreg:$0x3] =	wrdreg s18  }
0xb2: {  	[dreg:$0x4] =	wrdreg s24  }
0xb3: {  	[dreg:$0x5] =	wrdreg s4  }
0xb4: {  	[dreg:$0x6] =	wrdreg $0x80800  }
0xb5: {  	[dreg:$0x7] =	wrdreg $0x9  }
0xb6: {  	_ =	task.clear_ibuf [dreg:s9], $0x8FFFF;
	_ =	strace $0x9000004C  }
0xb7: {  	s29 =	simm.s32 $0x9;
	_ =	strace $0x8000004E  }
0xb8: {  	_ =	swait.ge [sflag:s29], $0x1  }
0xb9: {  	[sflag:s29] =	ssyncadd.s32 $0xFFFFFFFF  }
0xba: {  	_ =	strace $0x9000004E  }
0xbb: {  	_ =	sfence  }
0xbc: {  	s30 =	sld [smem:$0x0];
	_ =	sdelay $0x2  }
0xbd: {  	s31 =	sshll.u32 s1, $0xD;
	s1 =	sshrl.u32 s1, $0x2  }
0xbe: {  	s3 =	sand.u32 $0x4000, s31;
	s1 =	sadd.s32 s1, s30  }
0xbf: {  	s0 =	sor.u32 s3, s0;
	s1 =	sshll.u32 s1, $0x11  }
0xc0: {  	s0 =	sor.u32 s1, s0  }
0xc1: {  	s0 =	sadd.s32 $0x8F2B, s0  }
0xc2: {  	[sflag:s0] =	ssyncadd.remote.s32 $0x1  }
0xc3: {  	_ =	sfence.sel $0xFFFF  }
0xc4: {  	[dreg:$0x0] =	wrdreg $0xFFFFFFFF;
	(pc) =	sbr.abs _section_cstart, $3  }
0xc5: {  	[dreg:$0x1] =	wrdreg $0xFFFFFFFF  }
0xc6: {  	_ =	task.clear_ibuf [dreg:s9], $0x2FFFF;
	_ =	strace $0x9FFFFFFF  }
0xc7: {  	(tm) =	ssettm $0x7FFFFFFF  }
tec
execute0_lowered:
.L_overlay_start_1:
0x0: {  	(tag) =	ssettag $0x1  }
0x1: {  	s1 =	rddreg [dreg:$0x0]  }
0x2: {  	s10 =	rddreg [dreg:$0x1]  }
0x3: {  	s9 =	rddreg [dreg:$0x2]  }
0x4: {  	s3 =	rddreg [dreg:$0x3]  }
0x5: {  	s4 =	rddreg [dreg:$0x4]  }
0x6: {  	s0 =	rddreg [dreg:$0x5];
	s2 =	stileid.u32  }
0x7: {  	s5 =	simm.s32 $0x0;
	s7 =	srdreg.scid;
	s15 =	simm.s32 $0x8000  }
0x8: {  	s16 =	simm.s32 $0x2;
	s17 =	simm.s32 $0x80;
	s18 =	simm.s32 $0x4000  }
0x9: {  	s19 =	simm.s32 $0x0;
	s6 =	smul.u32 $0x2700, s2;
	[smem:$0x7FF] =	sst s5  }
0xa: {  	s7 =	sand.u32 $0x1, s7;
	s8 =	smul.u32 $0x4E000, s2;
	s30 =	sshll.u32 s2, $0x6  }
0xb: {  	s31 =	sshll.u32 s2, $0x4;
	s14 =	sadd.s32 $0x138000, s4;
	p0 =	sne.s32 s2, $0xF  }
0xc: {  	_ =	strace $0x8000004D;
	s11 =	ssub.s32 $0x2, s7;
	s14 =	sshrl.u32 @!p0 s14, $0x3  }
.Ltmp0:
0xd: {  	s12 =	sadd.s32 s6, s9;
	s29 =	sshrl.u32 s11, $0x1;
	(pc) =	sbr.rel .LBB2_1-.Ltmp0, $4  }
0xe: {  	s8 =	sshrl.u32 s8, $0x2;
	s6 =	sshll.u32 s7, $0x4;
	s9 =	sadd.s32 $0x28A00, s9  }
0xf: {  	s11 =	ssub.s32 s11, s29;
	s7 =	sadd.s32 $0x1A00, s12;
	s12 =	sand.u32 $0x70, s31  }
0x10: {  	s13 =	sadd.s32 s8, s4;
	s8 =	sor.u32 $0x1C01, s30;
	s10 =	sadd.s32 s10, s12  }
0x11: {  	s11 =	smax.u32 s11, $0x1;
	s12 =	sshrl.u32 s13, $0x3;
	s13 =	simm.s32 $0x1  }
.LBB2_7:
0x12: {  	s19 =	sadd.s32 $0x1, s19  }
0x13: {  	p1 =	sne.s32 s19, s11  }
.Ltmp1:
0x14: {  	_ = 	snop;
	(pc) =	sbr.rel @!p1 .LBB2_8-.Ltmp1, $1  }
0x15: {  	_ =	sdelay $0x3  }
.LBB2_1:
0x16: {  	[spmem:s12], [sflag:s8] =	dma.local [hbm:s7], $0x2700  }
0x17: {  	_ =	swait.ge [sflag:s13], $0x2700  }
0x18: {  	[sflag:s13] =	ssyncset.done $0x0  }
0x19: {  	s20 =	simm.s32 @!p0 $0x1;
	[sflag:s13] =	ssyncadd.s32 $0xFFFFD900  }
0x1a: {  	[spmem:s14], [sflag:s8] =	dma.local @!p0 [hbm:s9], $0x100  }
.Ltmp2:
0x1b: {  	_ =	swait.ge @!p0 [sflag:s20], $0x100;
	(pc) =	sbr.rel .LBB2_2-.Ltmp2, $4  }
0x1c: {  	[sflag:s20] =	ssyncset.done @!p0 $0x0  }
0x1d: {  	[sflag:s20] =	ssyncadd.s32 @!p0 $0xFFFFFF00  }
0x1e: {  	[bflag:$0x0] =	sbarrier.arrive $0xFFFF  }
0x1f: {  	s20 =	simm.s32 $0x0  }
.LBB2_6:
0x20: {  	s20 =	sadd.s32 $0x1, s20  }
0x21: {  	p1 =	sne.s32 s20, $0x4F  }
.Ltmp3:
0x22: {  	_ = 	snop;
	(pc) =	sbr.rel @!p1 .LBB2_7-.Ltmp3, $1  }
0x23: {  	_ =	sdelay $0x3  }
.LBB2_2:
0x24: {  	s21 =	sshll.u32 s20, $0x5  }
0x25: {  	s21 =	sor.u32 s21, s6  }
0x26: {  	s21 =	sor.u32 s2, s21  }
0x27: {  	p1 =	sgt.u32 s21, $0x9C3  }
.Ltmp4:
0x28: {  	_ = 	snop;
	(pc) =	sbr.rel @p1 .LBB2_6-.Ltmp4, $1  }
0x29: {  	_ =	sdelay $0x3  }
0x2a: {  	s22 =	sshll.u32 s21, $0x4  }
0x2b: {  	s22 =	sand.u32 $0xFF80, s22  }
0x2c: {  	s23 =	simm.s32 $0x0;
	s22 =	sadd.s32 s22, s10  }
0x2d: {  	[tilespmem:s15], [sflag:$0x2] =	stream.linear.gather [hbm4b:s22+s23], $0x80, $0x38;
	[tilespmem:$0x1B900] =	vst v63  }
0x2e: {  	_ =	swait.ge [sflag:s16], $0x80  }
0x2f: {  	s21 =	sshll.u32 s21, $0xB;
	[sflag:s16] =	ssyncset.done $0x0  }
0x30: {  	s31 =	sadd.s32 s1, s21;
	[sflag:s16] =	ssyncadd.s32 $0xFFFFFF80  }
0x31: {  	[tilespmem:s23], [sflag:$0x2] =	stream.linear.gather [hbm4b:s31+s23], $0x4000, $0x38;
	[tilespmem:$0x1B900] =	vst v63  }
0x32: {  	_ =	swait.ge [sflag:s16], $0x4000  }
0x33: {  	[sflag:s16] =	ssyncset.done $0x0  }
0x34: {  	[sflag:s16] =	ssyncadd.s32 $0xFFFFC000  }
0x35: {  	[tilespmem:s18], [sflag:$0x2] =	stream.indirect.gather [spmem:s4], $0x80, s15, s17, $0xb8;
	[tilespmem:$0x1B900] =	vst v63  }
0x36: {  	_ =	swait.ge [sflag:s16], $0x4000  }
0x37: {  	[sflag:s16] =	ssyncset.done $0x0  }
0x38: {  	s22 =	simm.s32 $0x0;
	[sflag:s16] =	ssyncadd.s32 $0xFFFFC000  }
0x39: {  	v7 =	vld [tilespmem:s22+$0x0]  }
0x3a: {  	v11 =	vld [tilespmem:s22+$0x10]  }
0x3b: {  	v5 =	vld [tilespmem:s22+$0x20]  }
0x3c: {  	v4 =	vld [tilespmem:s22+$0x30]  }
0x3d: {  	v3 =	vld [tilespmem:s22+$0x40]  }
0x3e: {  	v2 =	vld [tilespmem:s22+$0x50]  }
0x3f: {  	v1 =	vld [tilespmem:s22+$0x60]  }
0x40: {  	v0 =	vld [tilespmem:s22+$0x70]  }
0x41: {  	v12 =	vld [tilespmem:s22+$0x4000]  }
0x42: {  	v13 =	vld [tilespmem:s22+$0x4010]  }
0x43: {  	v10 =	vld [tilespmem:s22+$0x4020]  }
0x44: {  	v9 =	vld [tilespmem:s22+$0x4030]  }
0x45: {  	v8 =	vld [tilespmem:s22+$0x4040]  }
0x46: {  	v6 =	vld [tilespmem:s22+$0x4050];
	v12 =	vmul.f32 v12, v7  }
0x47: {  	s23 =	simm.s32 $0x200;
	v11 =	vmul.f32 v13, v11;
	v7 =	vld [tilespmem:s22+$0x4060]  }
.LBB2_4:
0x48: {  	s24 =	sshra.s32 s23, $0x2;
	p1 =	sne.s32 s23, $0xFE00;
	[tilespmem:s22+$0x4000] =	vst v12;
	v5 =	vmul.f32 v10, v5;
	v10 =	vld [tilespmem:s22+$0x4070]  }
0x49: {  	v12 =	vld [tilespmem:s24+$0x0];
	[tilespmem:s22+$0x4010] =	vst v11;
	v4 =	vmul.f32 v9, v4  }
0x4a: {  	v11 =	vld [tilespmem:s24+$0x10];
	[tilespmem:s22+$0x4020] =	vst v5;
	v3 =	vmul.f32 v8, v3  }
0x4b: {  	v5 =	vld [tilespmem:s24+$0x20];
	[tilespmem:s22+$0x4030] =	vst v4;
	v2 =	vmul.f32 v6, v2  }
0x4c: {  	v4 =	vld [tilespmem:s24+$0x30];
	[tilespmem:s22+$0x4040] =	vst v3;
	v1 =	vmul.f32 v7, v1  }
0x4d: {  	v3 =	vld [tilespmem:s24+$0x40];
	[tilespmem:s22+$0x4050] =	vst v2;
	v0 =	vmul.f32 v10, v0  }
0x4e: {  	v2 =	vld [tilespmem:s24+$0x50];
	[tilespmem:s22+$0x4060] =	vst v1  }
0x4f: {  	v1 =	vld [tilespmem:s24+$0x60];
	[tilespmem:s22+$0x4070] =	vst v0;
	s22 =	smov.u32 s24  }
0x50: {  	v0 =	vld [tilespmem:s22+$0x70]  }
0x51: {  	v6 =	vld [tilespmem:s22+$0x4000]  }
0x52: {  	v7 =	vld [tilespmem:s22+$0x4010]  }
.Ltmp5:
0x53: {  	v10 =	vld [tilespmem:s22+$0x4020];
	(pc) =	sbr.rel @p1 .LBB2_4-.Ltmp5, $4  }
0x54: {  	v9 =	vld [tilespmem:s22+$0x4030]  }
0x55: {  	v8 =	vld [tilespmem:s22+$0x4040]  }
0x56: {  	v12 =	vmul.f32 v6, v12;
	v6 =	vld [tilespmem:s22+$0x4050]  }
0x57: {  	s23 =	sadd.s32 $0x200, s23;
	v11 =	vmul.f32 v7, v11;
	v7 =	vld [tilespmem:s22+$0x4060]  }
0x58: {  	[tilespmem:s22+$0x4000] =	vst v12;
	v5 =	vmul.f32 v10, v5;
	v63 =	vld [tilespmem:s22+$0x4070]  }
0x59: {  	[tilespmem:s22+$0x4010] =	vst v11;
	v4 =	vmul.f32 v9, v4  }
0x5a: {  	[tilespmem:s22+$0x4020] =	vst v5;
	v3 =	vmul.f32 v8, v3  }
0x5b: {  	[tilespmem:s22+$0x4030] =	vst v4;
	v2 =	vmul.f32 v6, v2  }
0x5c: {  	[tilespmem:s22+$0x4040] =	vst v3;
	v1 =	vmul.f32 v7, v1  }
0x5d: {  	[tilespmem:s22+$0x4050] =	vst v2;
	v0 =	vmul.f32 v63, v0  }
0x5e: {  	[tilespmem:s22+$0x4060] =	vst v1  }
.Ltmp6:
0x5f: {  	s21 =	sadd.s32 s3, s21;
	[tilespmem:s22+$0x4070] =	vst v0;
	(pc) =	sbr.rel .LBB2_6-.Ltmp6, $4  }
0x60: {  	[hbm4b:s21+s5] =	stream.linear.scatter [tilespmem:s18], [sflag:$0x1], $0x4000, $0x38;
	[tilespmem:$0x1B900] =	vst v63  }
0x61: {  	_ =	swait.ge [sflag:s13], $0x4000  }
0x62: {  	[sflag:s13] =	ssyncset.done $0x0  }
0x63: {  	[sflag:s13] =	ssyncadd.s32 $0xFFFFC000  }
.LBB2_8:
0x64: {  	_ =	sfence.sel $0x180000  }
0x65: {  	[bflag:$0x0] =	sbarrier.arrive $0xFFFF  }
0x66: {  	p0 =	sne.s32 s2, $0x0;
	_ =	strace $0x9000004D  }
0x67: {  	s0 =	sadd.s32 @!p0 $0x100000, s0;
	[bflag:$0x2] =	sbarrier.arrive $0xFFFF  }
0x68: {  	[sflag:s0] =	ssyncadd.tile.s32 @!p0 $0x1;
	_ =	shalt  }
.Lfunc_end2:
_tile_overlayer_lowered:
.L_overlay_start_2:
0x69: {  	(tag) =	ssettag $0x2  }
0x6a: {  	s0 =	rddreg [dreg:$0x0];
	s2 =	stileid.u32  }
0x6b: {  	s1 =	rddreg [dreg:$0x1];
	p0 =	sne.s32 s2, $0x0  }
0x6c: {  	s3 =	rddreg [dreg:$0x2];
	[bflag:$0x3] =	sbarrier.arrive $0xFFFF;
	s2 =	simm.s32 @!p0 $0x1C01  }
0x6d: {  	[timem:s3], [sflag:s2] =	dma.local @!p0 [hbm:s0], s1  }
0x6e: {  	s0 =	simm.s32 @!p0 $0x1  }
0x6f: {  	_ =	swait.ge @!p0 [sflag:s0], s1  }
0x70: {  	s1 =	ssub.s32 @!p0 $0x0, s1;
	[sflag:s0] =	ssyncset.done @!p0 $0x0  }
0x71: {  	[sflag:s0] =	ssyncadd.s32 @!p0 s1  }
0x72: {  	[bflag:$0x3] =	sbarrier.arrive $0xFFFF  }
0x73: {  	_ =	shalt  }

// kernel: kernel.6.cloned.1.call-start
scs
__scs_entry_jumppad:
0x0: {  	(pc) =	sbr.rel $0x88, $3  }
0x1: {  	(tag) =	ssettag $0x0;
	lr =	simm.s32 $0x1  }
0x2: {  	[smem:$0x3F9B] =	sst lr;
	_ =	strace $0xD0000000  }
0x3: {  	_ = 	snop  }
0x4: {  	_ = 	snop  }
0x5: {  	_ = 	snop  }
0x6: {  	_ = 	snop  }
0x7: {  	_ = 	snop  }
__scs_overlays_trampoline_lowered:
0x8: {  	[smem:$0x3FAA] =	sst s0  }
0x9: {  	[smem:$0x3FAB] =	sst s1  }
0xa: {  	[smem:$0x3FAC] =	sst s2  }
0xb: {  	[smem:$0x3FAD] =	sst s3  }
0xc: {  	[smem:$0x3FAE] =	sst s4  }
0xd: {  	[smem:$0x3FAF] =	sst s5  }
0xe: {  	[smem:$0x3FB0] =	sst s6  }
0xf: {  	[smem:$0x3FB1] =	sst s7  }
0x10: {  	[smem:$0x3FB2] =	sst s8  }
0x11: {  	[smem:$0x3FB3] =	sst s9;
	s0 =	simm.s32 @!p0 $0x0  }
0x12: {  	s1 =	sld [smem:$0x3F99];
	s0 =	simm.s32 @p0 $0x1  }
0x13: {  	[smem:$0x3FB4] =	sst s0;
	s0 =	simm.s32 @!p1 $0x0  }
0x14: {  	s2 =	sld [smem:$0x3F98];
	s0 =	simm.s32 @p1 $0x1  }
0x15: {  	[smem:$0x3FB5] =	sst s0;
	s0 =	simm.s32 @!p2 $0x0  }
0x16: {  	s3 =	sld [smem:$0x3FDB];
	s0 =	simm.s32 @p2 $0x1  }
0x17: {  	s4 =	simm.s32 $0x1BF5;
	[smem:$0x3FB7] =	sst s0  }
0x18: {  	s0 =	sld [smem:$0x3F9A];
	_ =	swait.ge [sflag:s4], $0x0  }
0x19: {  	s7 =	sld [smem:$0x3F9B]  }
0x1a: {  	s8 =	sadd.s32 $0xFFFFE003, lr  }
0x1b: {  	s9 =	sadd.s32 $0xFFFFFEF7, lr;
	s5 =	simm.s32 $0xFFFFFFFF;
	p2 =	slt.u32 s8, $0xFFFFF086  }
0x1c: {  	p1 =	slt.u32 s9, $0xF7A;
	s5 =	simm.s32 @!p2 $0x0  }
0x1d: {  	s5 =	simm.s32 @p1 $0x1;
	p0 =	seq.s32 s7, s2  }
0x1e: {  	s7 =	smul.u32 @!p0 $0xF7A, s2;
	p2 =	seq.s32 @!p0 s5, $0x0  }
0x1f: {  	s9 =	smul.u32 $0xF7A, s1;
	s8 =	simm.s32 @!p0 $0x1BF5;
	p2 =	por !p2, p0  }
0x20: {  	[sflag:s8] =	ssyncset.s32 @!p0 $0xFFFFF086;
	s6 =	sadd.s32 @!p0 s3, s7;
	s7 =	simm.s32 @!p0 $0x108  }
0x21: {  	s3 =	sadd.s32 s3, s9;
	s6 =	sadd.s32 @!p0 $0x88, s6;
	s7 =	simm.s32 @p2 $0x1082  }
0x22: {  	[simem:s7], [sflag:s8] =	dma.local @!p0 [hbm:s6], $0xF7A  }
0x23: {  	s9 =	sor.u32 $0xD0000000, s2;
	s6 =	simm.s32 $0x108;
	_ =	swait.ge @!p0 [sflag:s8], $0x0  }
0x24: {  	s3 =	sadd.s32 $0x88, s3;
	s6 =	simm.s32 @!p1 $0x1082;
	[sflag:s4] =	ssyncset.s32 $0xFFFFF086  }
0x25: {  	[simem:s6], [sflag:s4] =	dma.local [hbm:s3], $0xF7A  }
0x26: {  	[smem:$0x3F9B] =	sst s1;
	(tag) =	ssettag s2;
	_ =	strace s9  }
0x27: {  	s1 =	sld [smem:$0x3FAB]  }
0x28: {  	s2 =	sld [smem:$0x3FAC]  }
0x29: {  	s4 =	sld [smem:$0x3FAE]  }
0x2a: {  	p0 =	seq.s32 s5, $0x0;
	s5 =	sld [smem:$0x3FAF]  }
0x2b: {  	s6 =	sld [smem:$0x3FB0]  }
0x2c: {  	s7 =	sld [smem:$0x3FB1]  }
0x2d: {  	s3 =	simm.s32 $0x108;
	s8 =	sld [smem:$0x3FB2]  }
0x2e: {  	s3 =	simm.s32 @!p0 $0x1082;
	s9 =	sld [smem:$0x3FB3]  }
0x2f: {  	lr =	sadd.s32 s0, s3;
	s0 =	sld [smem:$0x3FAA]  }
0x30: {  	s3 =	sld [smem:$0x3FAD]  }
0x31: {  	[smem:$0x3FB6] =	sst s10  }
0x32: {  	s10 =	sld [smem:$0x3FB4];
	_ =	sdelay $0x3  }
0x33: {  	p0 =	seq.s32 s10, $0x1;
	s10 =	sld [smem:$0x3FB6];
	_ =	sdelay $0x3  }
0x34: {  	[smem:$0x3FB6] =	sst s10  }
0x35: {  	s10 =	sld [smem:$0x3FB5];
	_ =	sdelay $0x3  }
0x36: {  	p1 =	seq.s32 s10, $0x1;
	s10 =	sld [smem:$0x3FB6];
	_ =	sdelay $0x3  }
0x37: {  	[smem:$0x3FB6] =	sst s10  }
0x38: {  	s10 =	sld [smem:$0x3FB7]  }
0x39: {  	_ = 	snop;
	(pc) =	sbr.ind lr, $3  }
0x3a: {  	_ = 	snop  }
0x3b: {  	_ = 	snop  }
0x3c: {  	p2 =	seq.s32 s10, $0x1;
	s10 =	sld [smem:$0x3FB6]  }
0x3d: {  	_ =	shalt  }
0x3e: {  	_ =	shalt  }
0x3f: {  	_ =	shalt  }
0x40: {  	_ =	shalt  }
0x41: {  	_ =	shalt  }
0x42: {  	_ =	shalt  }
0x43: {  	_ =	shalt  }
0x44: {  	_ =	shalt  }
0x45: {  	_ =	shalt  }
0x46: {  	_ =	shalt  }
0x47: {  	_ =	shalt  }
0x48: {  	_ =	shalt  }
0x49: {  	_ =	shalt  }
0x4a: {  	_ =	shalt  }
0x4b: {  	_ =	shalt  }
0x4c: {  	_ =	shalt  }
0x4d: {  	_ =	shalt  }
0x4e: {  	_ =	shalt  }
0x4f: {  	_ =	shalt  }
0x50: {  	_ =	shalt  }
0x51: {  	_ =	shalt  }
0x52: {  	_ =	shalt  }
0x53: {  	_ =	shalt  }
0x54: {  	_ =	shalt  }
0x55: {  	_ =	shalt  }
0x56: {  	_ =	shalt  }
0x57: {  	_ =	shalt  }
0x58: {  	_ =	shalt  }
0x59: {  	_ =	shalt  }
0x5a: {  	_ =	shalt  }
0x5b: {  	_ =	shalt  }
0x5c: {  	_ =	shalt  }
0x5d: {  	_ =	shalt  }
0x5e: {  	_ =	shalt  }
0x5f: {  	_ =	shalt  }
0x60: {  	_ =	shalt  }
0x61: {  	_ =	shalt  }
0x62: {  	_ =	shalt  }
0x63: {  	_ =	shalt  }
0x64: {  	_ =	shalt  }
0x65: {  	_ =	shalt  }
0x66: {  	_ =	shalt  }
0x67: {  	_ =	shalt  }
0x68: {  	_ =	shalt  }
0x69: {  	_ =	shalt  }
0x6a: {  	_ =	shalt  }
0x6b: {  	_ =	shalt  }
0x6c: {  	_ =	shalt  }
0x6d: {  	_ =	shalt  }
0x6e: {  	_ =	shalt  }
0x6f: {  	_ =	shalt  }
0x70: {  	_ =	shalt  }
0x71: {  	_ =	shalt  }
0x72: {  	_ =	shalt  }
0x73: {  	_ =	shalt  }
0x74: {  	_ =	shalt  }
0x75: {  	_ =	shalt  }
0x76: {  	_ =	shalt  }
0x77: {  	_ =	shalt  }
0x78: {  	_ =	shalt  }
0x79: {  	_ =	shalt  }
0x7a: {  	_ =	shalt  }
0x7b: {  	_ =	shalt  }
0x7c: {  	_ =	shalt  }
0x7d: {  	_ =	shalt  }
0x7e: {  	_ =	shalt  }
0x7f: {  	_ =	shalt  }
0x80: {  	_ =	shalt  }
0x81: {  	_ =	shalt  }
0x82: {  	_ =	shalt  }
0x83: {  	_ =	shalt  }
0x84: {  	_ =	shalt  }
0x85: {  	_ =	shalt  }
0x86: {  	_ =	shalt  }
0x87: {  	_ =	shalt  }
.Lfunc_end0:
.L_simem_size_0:
called_computation_lowered:
.L_overlay_start_0:
0x88: {  	s2 =	sld [smem:$0x3FD9]  }
0x89: {  	s3 =	sld [smem:$0x3FFE];
	_ =	sdelay $0x1  }
0x8a: {  	s1 =	srdreg.scid  }
0x8b: {  	s0 =	sand.u32 $0x1, s1  }
0x8c: {  	s17 =	sshll.u32 s0, $0xA;
	s2 =	sadd.s32 s3, s2  }
0x8d: {  	s2 =	sadd.s32 s2, s17  }
0x8e: {  	[smem:$0x3FC2] =	sst s2  }
0x8f: {  	_ = 	snop  }
0x90: {  	s2 =	sld [smem:$0x3FC8];
	(tm) =	ssettm $0x1  }
0x91: {  	s18 =	sld [smem:$0x3FFB];
	_ =	sdelay $0x3  }
0x92: {  	_ =	strace s18  }
0x93: {  	s3 =	sld [smem:$0x3FFC];
	_ =	sdelay $0x3  }
0x94: {  	_ =	strace s3  }
0x95: {  	s3 =	sld [smem:$0x3FFD];
	_ =	sdelay $0x3  }
0x96: {  	_ =	strace s3  }
0x97: {  	_ =	strace $0x8FFFFFFF  }
0x98: {  	s19 =	sld [smem:$0x3FDB];
	_ =	sdelay $0x1  }
0x99: {  	s4 =	simm.s32 $_scs_section_size  }
0x9a: {  	s5 =	simm.s32 $_size__tile_overlayer_lowered;
	s6 =	simm.s32 $_tile_overlayer_lowered  }
0x9b: {  	s22 =	simm.s32 $0x1BFF;
	s21 =	sshll.u32 s6, $0x1;
	s3 =	sadd.s32 s4, s19  }
0x9c: {  	s7 =	simm.s32 $0x0;
	s20 =	sshll.u32 s5, $0x1;
	s5 =	sadd.s32 s21, s3  }
0x9d: {  	[timem:s7], [sflag:s22] =	dma.local [hbm:s5], s20  }
0x9e: {  	_ =	swait.ge [sflag:s22], s20  }
0x9f: {  	s4 =	ssub.s32 $0x0, s20;
	[sflag:s22] =	ssyncset.done $0x0  }
0xa0: {  	[sflag:s22] =	ssyncadd.s32 s4;
	_ =	sdelay $0x1  }
0xa1: {  	s23 =	simm.s32 $0x1B8B  }
0xa2: {  	_ =	swait.ge [sflag:s23], $0x1  }
0xa3: {  	[sflag:s23] =	ssyncset.done $0x0  }
0xa4: {  	s25 =	simm.s32 $0x1B8E;
	s24 =	sld [smem:$0x3FFE];
	[sflag:s23] =	ssyncadd.s32 $0xFFFFFFFF  }
0xa5: {  	s26 =	simm.s32 $execute0_lowered;
	[smem:$0x3FD2] =	sst s25  }
0xa6: {  	s5 =	sshll.u32 s26, $0x1;
	_ =	strace $0x80000046;
	[dreg:$0x1] =	wrdreg $0xFFFFFFFF  }
0xa7: {  	s28 =	simm.s32 $_size_execute0_lowered;
	s3 =	sadd.s32 s3, s5;
	[dreg:$0x0] =	wrdreg $0x0  }
0xa8: {  	s5 =	sshll.u32 s28, $0x1;
	[dreg:$0x2] =	wrdreg s3  }
0xa9: {  	[dreg:$0x3] =	wrdreg s5  }
0xaa: {  	[dreg:$0x4] =	wrdreg $0xC0  }
0xab: {  	_ =	task [dreg:s7], $0x5FFFF  }
0xac: {  	[dreg:$0x1] =	wrdreg $0xFFFFFFFF  }
0xad: {  	[dreg:$0x0] =	wrdreg $0x60  }
0xae: {  	[dreg:$0x2] =	wrdreg s2  }
0xaf: {  	[dreg:$0x3] =	wrdreg s24  }
0xb0: {  	[dreg:$0x4] =	wrdreg $0x48000  }
0xb1: {  	[dreg:$0x5] =	wrdreg $0x9  }
0xb2: {  	_ =	task.clear_ibuf [dreg:s7], $0x6FFFF;
	_ =	strace $0x90000046  }
0xb3: {  	s29 =	simm.s32 $0x9;
	_ =	strace $0x80000048  }
0xb4: {  	_ =	swait.ge [sflag:s29], $0x1  }
0xb5: {  	[sflag:s29] =	ssyncadd.s32 $0xFFFFFFFF  }
0xb6: {  	_ =	strace $0x90000048  }
0xb7: {  	_ =	sfence  }
0xb8: {  	s30 =	sld [smem:$0x0];
	_ =	sdelay $0x2  }
0xb9: {  	s31 =	sshll.u32 s1, $0xD;
	s1 =	sshrl.u32 s1, $0x2  }
0xba: {  	s3 =	sand.u32 $0x4000, s31;
	s1 =	sadd.s32 s1, s30  }
0xbb: {  	s0 =	sor.u32 s3, s0;
	s1 =	sshll.u32 s1, $0x11  }
0xbc: {  	s0 =	sor.u32 s1, s0  }
0xbd: {  	s0 =	sadd.s32 $0x8F2B, s0  }
0xbe: {  	[sflag:s0] =	ssyncadd.remote.s32 $0x1  }
0xbf: {  	_ =	sfence.sel $0xFFFF  }
0xc0: {  	[dreg:$0x0] =	wrdreg $0xFFFFFFFF;
	(pc) =	sbr.abs _section_cstart, $3  }
0xc1: {  	[dreg:$0x1] =	wrdreg $0xFFFFFFFF  }
0xc2: {  	_ =	task.clear_ibuf [dreg:s7], $0x2FFFF;
	_ =	strace $0x9FFFFFFF  }
0xc3: {  	(tm) =	ssettm $0x7FFFFFFF  }
tec
execute0_lowered:
.L_overlay_start_1:
0x0: {  	(tag) =	ssettag $0x1  }
0x1: {  	s0 =	rddreg [dreg:$0x0]  }
0x2: {  	s1 =	rddreg [dreg:$0x1]  }
0x3: {  	s2 =	rddreg [dreg:$0x2];
	s13 =	stileid.u32  }
0x4: {  	s3 =	simm.s32 $0x0;
	s4 =	srdreg.scid;
	s28 =	simm.s32 $0x4480  }
0x5: {  	s29 =	simm.s32 $0x4500;
	s30 =	simm.s32 $0x4580;
	s31 =	simm.s32 $0x4600  }
0x6: {  	s5 =	smul.u32 $0x13800, s13;
	[smem:$0x7FF] =	sst s3;
	s7 =	sand.u32 $0x1, s4  }
0x7: {  	s9 =	smul.u32 $0x4E000, s13;
	s10 =	sadd.s32 $0x28C00, s1;
	s20 =	sshll.u32 s13, $0x6  }
0x8: {  	s21 =	sadd.s32 $0x9C00, s0;
	s25 =	sshll.u32 s13, $0x8;
	p0 =	sne.s32 s13, $0xF  }
0x9: {  	_ =	strace $0x80000047;
	s6 =	ssub.s32 $0x2, s7;
	s16 =	sshll.u32 s7, $0x4  }
0xa: {  	s18 =	smul.u32 $0x138800, s7;
	[dreg:$0x6] =	wrdreg s21;
	s24 =	sshll.u32 s7, $0xC  }
0xb: {  	s21 =	simm.s32 $0x4180;
	s7 =	simm.s32 $0x0;
	s14 =	sshrl.u32 s5, $0x3  }
0xc: {  	s15 =	sshrl.u32 s6, $0x1;
	s4 =	sor.u32 s13, s16;
	s17 =	sshrl.u32 s9, $0x2  }
0xd: {  	s0 =	sadd.s32 s24, s0;
	s16 =	simm.s32 $0x4000;
	s24 =	simm.s32 $0x4300  }
0xe: {  	s8 =	sadd.s32 s14, s1;
	s11 =	ssub.s32 s6, s15;
	s12 =	sadd.s32 s17, s2  }
0xf: {  	s6 =	sor.u32 $0x1C01, s20;
	s5 =	sadd.s32 s5, s18;
	s1 =	sadd.s32 $0x28A00, s1  }
0x10: {  	s23 =	sshrl.u32 s18, $0x3;
	s9 =	sadd.s32 s25, s0;
	s14 =	simm.s32 $0x1  }
0x11: {  	s17 =	simm.s32 $0x2;
	s18 =	simm.s32 $0x80;
	s20 =	simm.s32 $0x4100  }
0x12: {  	s25 =	simm.s32 $0x4380;
	p1 =	sne.s32 s4, $0x0;
	s0 =	simm.s32 $0x4680  }
0x13: {  	s19 =	sadd.s32 $0x1A00, s8;
	s8 =	sadd.s32 $0x138000, s2;
	[dreg:$0x5] =	wrdreg s1  }
0x14: {  	s22 =	sshrl.u32 s5, $0x3;
	s26 =	smax.u32 s11, $0x1;
	s13 =	sshrl.u32 s12, $0x3  }
.Ltmp0:
0x15: {  	s5 =	simm.s32 $0x4780;
	[dreg:$0x4] =	wrdreg s19;
	(pc) =	sbr.rel .LBB2_1-.Ltmp0, $4  }
0x16: {  	s1 =	sadd.s32 s10, s22;
	[dreg:$0x9] =	wrdreg s26;
	s15 =	sshrl.u32 @!p0 s8, $0x3  }
0x17: {  	s19 =	simm.s32 $0x4080;
	[dreg:$0x7] =	wrdreg s1;
	s1 =	sadd.s32 s10, s23  }
0x18: {  	s22 =	simm.s32 $0x4200;
	s26 =	simm.s32 $0x4400;
	s1 =	sadd.s32 $0x27000, s1  }
0x19: {  	v0 =	vimm.f32 $1.000000000e+00;
	s23 =	simm.s32 $0x4280;
	[dreg:$0x8] =	wrdreg s1;
	s1 =	simm.s32 $0x4700  }
.LBB2_7:
0x1a: {  	s8 =	simm.s32 @!p1 $0x0  }
0x1b: {  	s10 =	simm.s32 @!p1 $0x4000;
	s11 =	rddreg [dreg:$0x6];
	s12 =	simm.s32 @!p1 $0x1  }
0x1c: {  	[tilespmem:s10], [sflag:$0x1] =	stream.linear.gather @!p1 [hbm4b:s11+s8], $0x200, $0x38;
	[tilespmem:$0x6F10] =	vst v63  }
0x1d: {  	_ =	swait.ge @!p1 [sflag:s12], $0x200  }
0x1e: {  	[sflag:s12] =	ssyncset.done @!p1 $0x0  }
0x1f: {  	s11 =	simm.s32 @!p1 $0x80;
	[sflag:s12] =	ssyncadd.s32 @!p1 $0xFFFFFE00  }
0x20: {  	[spmem:s2] =	stream.indirect.scatter.add.f32 @!p1 [tilespmem:s8], [sflag:$0x1], $0x10, s10, s11, $0xb8;
	[tilespmem:$0x6F10] =	vst v63  }
0x21: {  	_ =	swait.ge @!p1 [sflag:s12], $0x800  }
0x22: {  	[sflag:s12] =	ssyncset.done @!p1 $0x0  }
0x23: {  	s10 =	simm.s32 @!p1 $0x4080;
	[sflag:s12] =	ssyncadd.s32 @!p1 $0xFFFFF800  }
0x24: {  	[spmem:s2] =	stream.indirect.scatter.add.f32 @!p1 [tilespmem:s8], [sflag:$0x1], $0x10, s10, s11, $0xb8;
	[tilespmem:$0x6F10] =	vst v63  }
0x25: {  	_ =	swait.ge @!p1 [sflag:s12], $0x800  }
0x26: {  	[sflag:s12] =	ssyncset.done @!p1 $0x0  }
0x27: {  	s10 =	simm.s32 @!p1 $0x4100;
	[sflag:s12] =	ssyncadd.s32 @!p1 $0xFFFFF800  }
0x28: {  	[spmem:s2] =	stream.indirect.scatter.add.f32 @!p1 [tilespmem:s8], [sflag:$0x1], $0x10, s10, s11, $0xb8;
	[tilespmem:$0x6F10] =	vst v63  }
0x29: {  	_ =	swait.ge @!p1 [sflag:s12], $0x800  }
0x2a: {  	[sflag:s12] =	ssyncset.done @!p1 $0x0  }
0x2b: {  	s10 =	simm.s32 @!p1 $0x4180;
	[sflag:s12] =	ssyncadd.s32 @!p1 $0xFFFFF800  }
0x2c: {  	[spmem:s2] =	stream.indirect.scatter.add.f32 @!p1 [tilespmem:s8], [sflag:$0x1], $0x10, s10, s11, $0xb8;
	[tilespmem:$0x6F10] =	vst v63  }
0x2d: {  	_ =	swait.ge @!p1 [sflag:s12], $0x800  }
0x2e: {  	[sflag:s12] =	ssyncset.done @!p1 $0x0  }
0x2f: {  	[sflag:s12] =	ssyncadd.s32 @!p1 $0xFFFFF800  }
0x30: {  	[bflag:$0x0] =	sbarrier.arrive $0xFFFF  }
0x31: {  	s11 =	rddreg [dreg:$0x7]  }
0x32: {  	[hbm:s11], [sflag:s6] =	dma.local [spmem:s13], $0x2700  }
0x33: {  	_ =	swait.ge [sflag:s14], $0x2700  }
0x34: {  	[sflag:s14] =	ssyncset.done $0x0  }
0x35: {  	s8 =	rddreg [dreg:$0x8];
	[sflag:s14] =	ssyncadd.s32 $0xFFFFD900  }
0x36: {  	[hbm:s8], [sflag:s6] =	dma.local @!p0 [spmem:s15], $0x100  }
0x37: {  	s8 =	simm.s32 @!p0 $0x1  }
0x38: {  	_ =	swait.ge @!p0 [sflag:s8], $0x100  }
0x39: {  	s7 =	sadd.s32 $0x1, s7;
	s12 =	rddreg [dreg:$0x9]  }
0x3a: {  	p2 =	sne.s32 s7, s12  }
.Ltmp1:
0x3b: {  	_ = 	snop;
	(pc) =	sbr.rel @!p2 .LBB2_8-.Ltmp1, $3  }
0x3c: {  	_ =	sdelay $0x1  }
0x3d: {  	[sflag:s8] =	ssyncset.done @!p0 $0x0  }
0x3e: {  	[sflag:s8] =	ssyncadd.s32 @!p0 $0xFFFFFF00  }
.LBB2_1:
0x3f: {  	s8 =	rddreg [dreg:$0x4]  }
0x40: {  	[spmem:s13], [sflag:s6] =	dma.local [hbm:s8], $0x2700  }
0x41: {  	_ =	swait.ge [sflag:s14], $0x2700  }
0x42: {  	[sflag:s14] =	ssyncset.done $0x0  }
0x43: {  	s8 =	rddreg [dreg:$0x5];
	[sflag:s14] =	ssyncadd.s32 $0xFFFFD900  }
0x44: {  	[spmem:s15], [sflag:s6] =	dma.local @!p0 [hbm:s8], $0x100  }
0x45: {  	s8 =	simm.s32 @!p0 $0x1  }
0x46: {  	_ =	swait.ge @!p0 [sflag:s8], $0x100  }
0x47: {  	[sflag:s8] =	ssyncset.done @!p0 $0x0  }
0x48: {  	s12 =	simm.s32 $0x0;
	[sflag:s8] =	ssyncadd.s32 @!p0 $0xFFFFFF00;
	s8 =	simm.s32 $0x200  }
.LBB2_2:
0x49: {  	p2 =	sne.s32 s8, $0xFE00;
	[tilespmem:s12+$0x0] =	vst v0;
	s12 =	smov.u32 s8;
	s8 =	sadd.s32 $0x200, s8  }
.Ltmp2:
0x4a: {  	(pc) =	sbr.rel @p2 .LBB2_2-.Ltmp2, $2  }
0x4b: {  	_ =	sdelay $0x2  }
0x4c: {  	s12 =	sshra.s32 s12, $0x2  }
.Ltmp3:
0x4d: {  	(pc) =	sbr.rel .LBB2_4-.Ltmp3, $4  }
0x4e: {  	_ = 	snop  }
0x4f: {  	[tilespmem:s12+$0x0] =	vst v0  }
0x50: {  	[bflag:$0x0] =	sbarrier.arrive $0xFFFF  }
0x51: {  	s8 =	simm.s32 $0x0;
	s12 =	smov.u32 s9  }
.LBB2_6:
0x52: {  	s8 =	sadd.s32 $0x20, s8  }
0x53: {  	p2 =	sne.s32 s8, $0xA0  }
.Ltmp4:
0x54: {  	_ = 	snop;
	(pc) =	sbr.rel @!p2 .LBB2_7-.Ltmp4, $2  }
0x55: {  	_ =	sdelay $0x2  }
0x56: {  	s12 =	sadd.s32 $0x2000, s12  }
.LBB2_4:
0x57: {  	s10 =	sadd.s32 s8, s4  }
0x58: {  	p2 =	sgt.u32 s10, $0x9B  }
.Ltmp5:
0x59: {  	_ = 	snop;
	(pc) =	sbr.rel @p2 .LBB2_6-.Ltmp5, $1  }
0x5a: {  	_ =	sdelay $0x3  }
0x5b: {  	[tilespmem:s16], [sflag:$0x2] =	stream.linear.gather [hbm4b:s12+s3], $0x800, $0x38;
	[tilespmem:$0x6F10] =	vst v63  }
0x5c: {  	_ =	swait.ge [sflag:s17], $0x800  }
0x5d: {  	[sflag:s17] =	ssyncset.done $0x0  }
0x5e: {  	[sflag:s17] =	ssyncadd.s32 $0xFFFFF800  }
0x5f: {  	[spmem:s2] =	stream.indirect.scatter.add.f32 [tilespmem:s3], [sflag:$0x2], $0x10, s16, s18, $0xb8;
	[tilespmem:$0x6F10] =	vst v63  }
0x60: {  	_ =	swait.ge [sflag:s17], $0x800  }
0x61: {  	[sflag:s17] =	ssyncset.done $0x0  }
0x62: {  	[sflag:s17] =	ssyncadd.s32 $0xFFFFF800  }
0x63: {  	[spmem:s2] =	stream.indirect.scatter.add.f32 [tilespmem:s3], [sflag:$0x2], $0x10, s19, s18, $0xb8;
	[tilespmem:$0x6F10] =	vst v63  }
0x64: {  	_ =	swait.ge [sflag:s17], $0x800  }
0x65: {  	[sflag:s17] =	ssyncset.done $0x0  }
0x66: {  	[sflag:s17] =	ssyncadd.s32 $0xFFFFF800  }
0x67: {  	[spmem:s2] =	stream.indirect.scatter.add.f32 [tilespmem:s3], [sflag:$0x2], $0x10, s20, s18, $0xb8;
	[tilespmem:$0x6F10] =	vst v63  }
0x68: {  	_ =	swait.ge [sflag:s17], $0x800  }
0x69: {  	[sflag:s17] =	ssyncset.done $0x0  }
0x6a: {  	[sflag:s17] =	ssyncadd.s32 $0xFFFFF800  }
0x6b: {  	[spmem:s2] =	stream.indirect.scatter.add.f32 [tilespmem:s3], [sflag:$0x2], $0x10, s21, s18, $0xb8;
	[tilespmem:$0x6F10] =	vst v63  }
0x6c: {  	_ =	swait.ge [sflag:s17], $0x800  }
0x6d: {  	[sflag:s17] =	ssyncset.done $0x0  }
0x6e: {  	[sflag:s17] =	ssyncadd.s32 $0xFFFFF800  }
0x6f: {  	[spmem:s2] =	stream.indirect.scatter.add.f32 [tilespmem:s3], [sflag:$0x2], $0x10, s22, s18, $0xb8;
	[tilespmem:$0x6F10] =	vst v63  }
0x70: {  	_ =	swait.ge [sflag:s17], $0x800  }
0x71: {  	[sflag:s17] =	ssyncset.done $0x0  }
0x72: {  	[sflag:s17] =	ssyncadd.s32 $0xFFFFF800  }
0x73: {  	[spmem:s2] =	stream.indirect.scatter.add.f32 [tilespmem:s3], [sflag:$0x2], $0x10, s23, s18, $0xb8;
	[tilespmem:$0x6F10] =	vst v63  }
0x74: {  	_ =	swait.ge [sflag:s17], $0x800  }
0x75: {  	[sflag:s17] =	ssyncset.done $0x0  }
0x76: {  	[sflag:s17] =	ssyncadd.s32 $0xFFFFF800  }
0x77: {  	[spmem:s2] =	stream.indirect.scatter.add.f32 [tilespmem:s3], [sflag:$0x2], $0x10, s24, s18, $0xb8;
	[tilespmem:$0x6F10] =	vst v63  }
0x78: {  	_ =	swait.ge [sflag:s17], $0x800  }
0x79: {  	[sflag:s17] =	ssyncset.done $0x0  }
0x7a: {  	[sflag:s17] =	ssyncadd.s32 $0xFFFFF800  }
0x7b: {  	[spmem:s2] =	stream.indirect.scatter.add.f32 [tilespmem:s3], [sflag:$0x2], $0x10, s25, s18, $0xb8;
	[tilespmem:$0x6F10] =	vst v63  }
0x7c: {  	_ =	swait.ge [sflag:s17], $0x800  }
0x7d: {  	[sflag:s17] =	ssyncset.done $0x0  }
0x7e: {  	[sflag:s17] =	ssyncadd.s32 $0xFFFFF800  }
0x7f: {  	[spmem:s2] =	stream.indirect.scatter.add.f32 [tilespmem:s3], [sflag:$0x2], $0x10, s26, s18, $0xb8;
	[tilespmem:$0x6F10] =	vst v63  }
0x80: {  	_ =	swait.ge [sflag:s17], $0x800  }
0x81: {  	[sflag:s17] =	ssyncset.done $0x0  }
0x82: {  	[sflag:s17] =	ssyncadd.s32 $0xFFFFF800  }
0x83: {  	[spmem:s2] =	stream.indirect.scatter.add.f32 [tilespmem:s3], [sflag:$0x2], $0x10, s28, s18, $0xb8;
	[tilespmem:$0x6F10] =	vst v63  }
0x84: {  	_ =	swait.ge [sflag:s17], $0x800  }
0x85: {  	[sflag:s17] =	ssyncset.done $0x0  }
0x86: {  	[sflag:s17] =	ssyncadd.s32 $0xFFFFF800  }
0x87: {  	[spmem:s2] =	stream.indirect.scatter.add.f32 [tilespmem:s3], [sflag:$0x2], $0x10, s29, s18, $0xb8;
	[tilespmem:$0x6F10] =	vst v63  }
0x88: {  	_ =	swait.ge [sflag:s17], $0x800  }
0x89: {  	[sflag:s17] =	ssyncset.done $0x0  }
0x8a: {  	[sflag:s17] =	ssyncadd.s32 $0xFFFFF800  }
0x8b: {  	[spmem:s2] =	stream.indirect.scatter.add.f32 [tilespmem:s3], [sflag:$0x2], $0x10, s30, s18, $0xb8;
	[tilespmem:$0x6F10] =	vst v63  }
0x8c: {  	_ =	swait.ge [sflag:s17], $0x800  }
0x8d: {  	[sflag:s17] =	ssyncset.done $0x0  }
0x8e: {  	[sflag:s17] =	ssyncadd.s32 $0xFFFFF800  }
0x8f: {  	[spmem:s2] =	stream.indirect.scatter.add.f32 [tilespmem:s3], [sflag:$0x2], $0x10, s31, s18, $0xb8;
	[tilespmem:$0x6F10] =	vst v63  }
0x90: {  	_ =	swait.ge [sflag:s17], $0x800  }
0x91: {  	[sflag:s17] =	ssyncset.done $0x0  }
0x92: {  	[sflag:s17] =	ssyncadd.s32 $0xFFFFF800  }
0x93: {  	[spmem:s2] =	stream.indirect.scatter.add.f32 [tilespmem:s3], [sflag:$0x2], $0x10, s0, s18, $0xb8;
	[tilespmem:$0x6F10] =	vst v63  }
0x94: {  	_ =	swait.ge [sflag:s17], $0x800  }
0x95: {  	[sflag:s17] =	ssyncset.done $0x0  }
0x96: {  	[sflag:s17] =	ssyncadd.s32 $0xFFFFF800  }
0x97: {  	[spmem:s2] =	stream.indirect.scatter.add.f32 [tilespmem:s3], [sflag:$0x2], $0x10, s1, s18, $0xb8;
	[tilespmem:$0x6F10] =	vst v63  }
0x98: {  	_ =	swait.ge [sflag:s17], $0x800  }
0x99: {  	[sflag:s17] =	ssyncset.done $0x0  }
.Ltmp6:
0x9a: {  	[sflag:s17] =	ssyncadd.s32 $0xFFFFF800;
	(pc) =	sbr.rel .LBB2_6-.Ltmp6, $4  }
0x9b: {  	[spmem:s2] =	stream.indirect.scatter.add.f32 [tilespmem:s3], [sflag:$0x1], $0x10, s5, s18, $0xb8;
	[tilespmem:$0x6F10] =	vst v63  }
0x9c: {  	_ =	swait.ge [sflag:s14], $0x800  }
0x9d: {  	[sflag:s14] =	ssyncset.done $0x0  }
0x9e: {  	[sflag:s14] =	ssyncadd.s32 $0xFFFFF800  }
.LBB2_8:
0x9f: {  	_ =	sfence.sel $0x180000  }
0xa0: {  	[bflag:$0x0] =	sbarrier.arrive $0xFFFF  }
0xa1: {  	_ =	strace $0x90000047  }
0xa2: {  	s0 =	stileid.u32;
	[bflag:$0x2] =	sbarrier.arrive $0xFFFF  }
0xa3: {  	p0 =	sne.s32 s0, $0x0;
	s0 =	rddreg [dreg:$0x3]  }
0xa4: {  	s0 =	sadd.s32 @!p0 $0x100000, s0  }
0xa5: {  	[sflag:s0] =	ssyncadd.tile.s32 @!p0 $0x1;
	_ =	shalt  }
.Lfunc_end2:
_tile_overlayer_lowered:
.L_overlay_start_2:
0xa6: {  	(tag) =	ssettag $0x2  }
0xa7: {  	s0 =	rddreg [dreg:$0x0];
	s2 =	stileid.u32  }
0xa8: {  	s1 =	rddreg [dreg:$0x1];
	p0 =	sne.s32 s2, $0x0  }
0xa9: {  	s3 =	rddreg [dreg:$0x2];
	[bflag:$0x3] =	sbarrier.arrive $0xFFFF;
	s2 =	simm.s32 @!p0 $0x1C01  }
0xaa: {  	[timem:s3], [sflag:s2] =	dma.local @!p0 [hbm:s0], s1  }
0xab: {  	s0 =	simm.s32 @!p0 $0x1  }
0xac: {  	_ =	swait.ge @!p0 [sflag:s0], s1  }
0xad: {  	s1 =	ssub.s32 @!p0 $0x0, s1;
	[sflag:s0] =	ssyncset.done @!p0 $0x0  }
0xae: {  	[sflag:s0] =	ssyncadd.s32 @!p0 s1  }
0xaf: {  	[bflag:$0x3] =	sbarrier.arrive $0xFFFF  }
0xb0: {  	_ =	shalt  }

// kernel: kernel.9.cloned.1.call-start
scs
__scs_entry_jumppad:
0x0: {  	(pc) =	sbr.rel $0x88, $3  }
0x1: {  	(tag) =	ssettag $0x0;
	lr =	simm.s32 $0x1  }
0x2: {  	[smem:$0x3F9B] =	sst lr;
	_ =	strace $0xD0000000  }
0x3: {  	_ = 	snop  }
0x4: {  	_ = 	snop  }
0x5: {  	_ = 	snop  }
0x6: {  	_ = 	snop  }
0x7: {  	_ = 	snop  }
__scs_overlays_trampoline_lowered:
0x8: {  	[smem:$0x3FAA] =	sst s0  }
0x9: {  	[smem:$0x3FAB] =	sst s1  }
0xa: {  	[smem:$0x3FAC] =	sst s2  }
0xb: {  	[smem:$0x3FAD] =	sst s3  }
0xc: {  	[smem:$0x3FAE] =	sst s4  }
0xd: {  	[smem:$0x3FAF] =	sst s5  }
0xe: {  	[smem:$0x3FB0] =	sst s6  }
0xf: {  	[smem:$0x3FB1] =	sst s7  }
0x10: {  	[smem:$0x3FB2] =	sst s8  }
0x11: {  	[smem:$0x3FB3] =	sst s9;
	s0 =	simm.s32 @!p0 $0x0  }
0x12: {  	s1 =	sld [smem:$0x3F99];
	s0 =	simm.s32 @p0 $0x1  }
0x13: {  	[smem:$0x3FB4] =	sst s0;
	s0 =	simm.s32 @!p1 $0x0  }
0x14: {  	s2 =	sld [smem:$0x3F98];
	s0 =	simm.s32 @p1 $0x1  }
0x15: {  	[smem:$0x3FB5] =	sst s0;
	s0 =	simm.s32 @!p2 $0x0  }
0x16: {  	s3 =	sld [smem:$0x3FDB];
	s0 =	simm.s32 @p2 $0x1  }
0x17: {  	s4 =	simm.s32 $0x1BF5;
	[smem:$0x3FB7] =	sst s0  }
0x18: {  	s0 =	sld [smem:$0x3F9A];
	_ =	swait.ge [sflag:s4], $0x0  }
0x19: {  	s7 =	sld [smem:$0x3F9B]  }
0x1a: {  	s8 =	sadd.s32 $0xFFFFE003, lr  }
0x1b: {  	s9 =	sadd.s32 $0xFFFFFEF7, lr;
	s5 =	simm.s32 $0xFFFFFFFF;
	p2 =	slt.u32 s8, $0xFFFFF086  }
0x1c: {  	p1 =	slt.u32 s9, $0xF7A;
	s5 =	simm.s32 @!p2 $0x0  }
0x1d: {  	s5 =	simm.s32 @p1 $0x1;
	p0 =	seq.s32 s7, s2  }
0x1e: {  	s7 =	smul.u32 @!p0 $0xF7A, s2;
	p2 =	seq.s32 @!p0 s5, $0x0  }
0x1f: {  	s9 =	smul.u32 $0xF7A, s1;
	s8 =	simm.s32 @!p0 $0x1BF5;
	p2 =	por !p2, p0  }
0x20: {  	[sflag:s8] =	ssyncset.s32 @!p0 $0xFFFFF086;
	s6 =	sadd.s32 @!p0 s3, s7;
	s7 =	simm.s32 @!p0 $0x108  }
0x21: {  	s3 =	sadd.s32 s3, s9;
	s6 =	sadd.s32 @!p0 $0x88, s6;
	s7 =	simm.s32 @p2 $0x1082  }
0x22: {  	[simem:s7], [sflag:s8] =	dma.local @!p0 [hbm:s6], $0xF7A  }
0x23: {  	s9 =	sor.u32 $0xD0000000, s2;
	s6 =	simm.s32 $0x108;
	_ =	swait.ge @!p0 [sflag:s8], $0x0  }
0x24: {  	s3 =	sadd.s32 $0x88, s3;
	s6 =	simm.s32 @!p1 $0x1082;
	[sflag:s4] =	ssyncset.s32 $0xFFFFF086  }
0x25: {  	[simem:s6], [sflag:s4] =	dma.local [hbm:s3], $0xF7A  }
0x26: {  	[smem:$0x3F9B] =	sst s1;
	(tag) =	ssettag s2;
	_ =	strace s9  }
0x27: {  	s1 =	sld [smem:$0x3FAB]  }
0x28: {  	s2 =	sld [smem:$0x3FAC]  }
0x29: {  	s4 =	sld [smem:$0x3FAE]  }
0x2a: {  	p0 =	seq.s32 s5, $0x0;
	s5 =	sld [smem:$0x3FAF]  }
0x2b: {  	s6 =	sld [smem:$0x3FB0]  }
0x2c: {  	s7 =	sld [smem:$0x3FB1]  }
0x2d: {  	s3 =	simm.s32 $0x108;
	s8 =	sld [smem:$0x3FB2]  }
0x2e: {  	s3 =	simm.s32 @!p0 $0x1082;
	s9 =	sld [smem:$0x3FB3]  }
0x2f: {  	lr =	sadd.s32 s0, s3;
	s0 =	sld [smem:$0x3FAA]  }
0x30: {  	s3 =	sld [smem:$0x3FAD]  }
0x31: {  	[smem:$0x3FB6] =	sst s10  }
0x32: {  	s10 =	sld [smem:$0x3FB4];
	_ =	sdelay $0x3  }
0x33: {  	p0 =	seq.s32 s10, $0x1;
	s10 =	sld [smem:$0x3FB6];
	_ =	sdelay $0x3  }
0x34: {  	[smem:$0x3FB6] =	sst s10  }
0x35: {  	s10 =	sld [smem:$0x3FB5];
	_ =	sdelay $0x3  }
0x36: {  	p1 =	seq.s32 s10, $0x1;
	s10 =	sld [smem:$0x3FB6];
	_ =	sdelay $0x3  }
0x37: {  	[smem:$0x3FB6] =	sst s10  }
0x38: {  	s10 =	sld [smem:$0x3FB7]  }
0x39: {  	_ = 	snop;
	(pc) =	sbr.ind lr, $3  }
0x3a: {  	_ = 	snop  }
0x3b: {  	_ = 	snop  }
0x3c: {  	p2 =	seq.s32 s10, $0x1;
	s10 =	sld [smem:$0x3FB6]  }
0x3d: {  	_ =	shalt  }
0x3e: {  	_ =	shalt  }
0x3f: {  	_ =	shalt  }
0x40: {  	_ =	shalt  }
0x41: {  	_ =	shalt  }
0x42: {  	_ =	shalt  }
0x43: {  	_ =	shalt  }
0x44: {  	_ =	shalt  }
0x45: {  	_ =	shalt  }
0x46: {  	_ =	shalt  }
0x47: {  	_ =	shalt  }
0x48: {  	_ =	shalt  }
0x49: {  	_ =	shalt  }
0x4a: {  	_ =	shalt  }
0x4b: {  	_ =	shalt  }
0x4c: {  	_ =	shalt  }
0x4d: {  	_ =	shalt  }
0x4e: {  	_ =	shalt  }
0x4f: {  	_ =	shalt  }
0x50: {  	_ =	shalt  }
0x51: {  	_ =	shalt  }
0x52: {  	_ =	shalt  }
0x53: {  	_ =	shalt  }
0x54: {  	_ =	shalt  }
0x55: {  	_ =	shalt  }
0x56: {  	_ =	shalt  }
0x57: {  	_ =	shalt  }
0x58: {  	_ =	shalt  }
0x59: {  	_ =	shalt  }
0x5a: {  	_ =	shalt  }
0x5b: {  	_ =	shalt  }
0x5c: {  	_ =	shalt  }
0x5d: {  	_ =	shalt  }
0x5e: {  	_ =	shalt  }
0x5f: {  	_ =	shalt  }
0x60: {  	_ =	shalt  }
0x61: {  	_ =	shalt  }
0x62: {  	_ =	shalt  }
0x63: {  	_ =	shalt  }
0x64: {  	_ =	shalt  }
0x65: {  	_ =	shalt  }
0x66: {  	_ =	shalt  }
0x67: {  	_ =	shalt  }
0x68: {  	_ =	shalt  }
0x69: {  	_ =	shalt  }
0x6a: {  	_ =	shalt  }
0x6b: {  	_ =	shalt  }
0x6c: {  	_ =	shalt  }
0x6d: {  	_ =	shalt  }
0x6e: {  	_ =	shalt  }
0x6f: {  	_ =	shalt  }
0x70: {  	_ =	shalt  }
0x71: {  	_ =	shalt  }
0x72: {  	_ =	shalt  }
0x73: {  	_ =	shalt  }
0x74: {  	_ =	shalt  }
0x75: {  	_ =	shalt  }
0x76: {  	_ =	shalt  }
0x77: {  	_ =	shalt  }
0x78: {  	_ =	shalt  }
0x79: {  	_ =	shalt  }
0x7a: {  	_ =	shalt  }
0x7b: {  	_ =	shalt  }
0x7c: {  	_ =	shalt  }
0x7d: {  	_ =	shalt  }
0x7e: {  	_ =	shalt  }
0x7f: {  	_ =	shalt  }
0x80: {  	_ =	shalt  }
0x81: {  	_ =	shalt  }
0x82: {  	_ =	shalt  }
0x83: {  	_ =	shalt  }
0x84: {  	_ =	shalt  }
0x85: {  	_ =	shalt  }
0x86: {  	_ =	shalt  }
0x87: {  	_ =	shalt  }
.Lfunc_end0:
.L_simem_size_0:
called_computation.1_lowered:
.L_overlay_start_0:
0x88: {  	s2 =	sld [smem:$0x3FD9]  }
0x89: {  	s3 =	sld [smem:$0x3FFE];
	_ =	sdelay $0x1  }
0x8a: {  	s1 =	srdreg.scid  }
0x8b: {  	s0 =	sand.u32 $0x1, s1  }
0x8c: {  	s17 =	sshll.u32 s0, $0xA;
	s2 =	sadd.s32 s3, s2  }
0x8d: {  	s2 =	sadd.s32 s2, s17  }
0x8e: {  	[smem:$0x3FC2] =	sst s2  }
0x8f: {  	_ = 	snop  }
0x90: {  	s4 =	sld [smem:$0x3FC9]  }
0x91: {  	s18 =	sld [smem:$0x3FD0];
	(tm) =	ssettm $0x1  }
0x92: {  	s19 =	sld [smem:$0x3FFB];
	_ =	sdelay $0x3  }
0x93: {  	_ =	strace s19  }
0x94: {  	s2 =	sld [smem:$0x3FFC];
	_ =	sdelay $0x3  }
0x95: {  	_ =	strace s2  }
0x96: {  	s2 =	sld [smem:$0x3FFD];
	_ =	sdelay $0x3  }
0x97: {  	_ =	strace s2  }
0x98: {  	_ =	strace $0x8FFFFFFF  }
0x99: {  	s20 =	sld [smem:$0x3FDB];
	_ =	sdelay $0x1  }
0x9a: {  	s5 =	simm.s32 $_scs_section_size  }
0x9b: {  	s6 =	simm.s32 $_size__tile_overlayer_lowered;
	s7 =	simm.s32 $_tile_overlayer_lowered  }
0x9c: {  	s8 =	simm.s32 $0x1BFF;
	s21 =	sshll.u32 s7, $0x1;
	s5 =	sadd.s32 s5, s20  }
0x9d: {  	s22 =	simm.s32 $0x0;
	s6 =	sshll.u32 s6, $0x1;
	s7 =	sadd.s32 s21, s5  }
0x9e: {  	[timem:s22], [sflag:s8] =	dma.local [hbm:s7], s6  }
0x9f: {  	_ =	swait.ge [sflag:s8], s6  }
0xa0: {  	s6 =	ssub.s32 $0x0, s6;
	[sflag:s8] =	ssyncset.done $0x0  }
0xa1: {  	[sflag:s8] =	ssyncadd.s32 s6;
	_ =	sdelay $0x1  }
0xa2: {  	s23 =	simm.s32 $0x1B8B  }
0xa3: {  	_ =	swait.ge [sflag:s23], $0x1  }
0xa4: {  	[sflag:s23] =	ssyncset.done $0x0  }
0xa5: {  	[sflag:s23] =	ssyncadd.s32 $0xFFFFFFFF  }
0xa6: {  	s6 =	sld [smem:$0x0]  }
0xa7: {  	s7 =	sand.u32 $0xFFFFFFFE, s1  }
0xa8: {  	p0 =	sne.s32 s1, s7  }
0xa9: {  	s7 =	sshll.u32 @p0 s7, $0xE  }
0xaa: {  	s7 =	sadd.s32 @p0 $0x11B8D, s7;
	s8 =	sshll.u32 @p0 s6, $0x11  }
0xab: {  	s7 =	sor.u32 @p0 s8, s7  }
0xac: {  	[sflag:s7] =	ssyncadd.remote.s32 @p0 $0x1;
	_ =	sdelay $0x1  }
0xad: {  	s7 =	simm.s32 @p0 $0x1B8D  }
0xae: {  	_ =	swait.eq @p0 [sflag:s7], $0x1  }
0xaf: {  	[sflag:s7] =	ssyncadd.s32 @p0 $0xFFFFFFFF  }
0xb0: {  	s8 =	sshll.u32 @!p0 s1, $0xE  }
0xb1: {  	s8 =	sor.u32 @!p0 $0x4000, s8;
	s7 =	simm.s32 @!p0 $0x1B8D  }
0xb2: {  	s6 =	sshll.u32 @!p0 s6, $0x11;
	s8 =	sadd.s32 @!p0 $0x11B8D, s8;
	_ =	swait.eq @!p0 [sflag:s7], $0x1  }
0xb3: {  	s6 =	sor.u32 @!p0 s6, s8;
	[sflag:s7] =	ssyncadd.s32 @!p0 $0xFFFFFFFF  }
0xb4: {  	s25 =	simm.s32 $0x1B8E;
	s24 =	sld [smem:$0x3FFE];
	[sflag:s6] =	ssyncadd.remote.s32 @!p0 $0x1  }
0xb5: {  	s26 =	simm.s32 $execute0_lowered;
	[smem:$0x3FD2] =	sst s25  }
0xb6: {  	s7 =	sshll.u32 s26, $0x1;
	_ =	strace $0x80000049;
	[dreg:$0x1] =	wrdreg $0xFFFFFFFF  }
0xb7: {  	s28 =	simm.s32 $_size_execute0_lowered;
	s5 =	sadd.s32 s5, s7;
	[dreg:$0x0] =	wrdreg $0x0  }
0xb8: {  	s7 =	sshll.u32 s28, $0x1;
	[dreg:$0x2] =	wrdreg s5  }
0xb9: {  	[dreg:$0x3] =	wrdreg s7  }
0xba: {  	[dreg:$0x4] =	wrdreg $0xC0  }
0xbb: {  	_ =	task [dreg:s22], $0x5FFFF  }
0xbc: {  	[dreg:$0x1] =	wrdreg $0xFFFFFFFF  }
0xbd: {  	[dreg:$0x0] =	wrdreg $0x60  }
0xbe: {  	[dreg:$0x2] =	wrdreg s4  }
0xbf: {  	[dreg:$0x3] =	wrdreg s24  }
0xc0: {  	[dreg:$0x4] =	wrdreg s18  }
0xc1: {  	[dreg:$0x5] =	wrdreg $0x81000  }
0xc2: {  	[dreg:$0x6] =	wrdreg $0xA  }
0xc3: {  	_ =	task.clear_ibuf [dreg:s22], $0x7FFFF;
	_ =	strace $0x90000049  }
0xc4: {  	s29 =	simm.s32 $0xA;
	_ =	strace $0x8000004B  }
0xc5: {  	_ =	swait.ge [sflag:s29], $0x1  }
0xc6: {  	[sflag:s29] =	ssyncadd.s32 $0xFFFFFFFF  }
0xc7: {  	_ =	strace $0x9000004B  }
0xc8: {  	_ =	sfence  }
0xc9: {  	s30 =	sld [smem:$0x0];
	_ =	sdelay $0x2  }
0xca: {  	s31 =	sshll.u32 s1, $0xD;
	s1 =	sshrl.u32 s1, $0x2  }
0xcb: {  	s4 =	sand.u32 $0x4000, s31;
	s1 =	sadd.s32 s1, s30  }
0xcc: {  	s0 =	sor.u32 s4, s0;
	s1 =	sshll.u32 s1, $0x11  }
0xcd: {  	s0 =	sor.u32 s1, s0  }
0xce: {  	s0 =	sadd.s32 $0x8F2B, s0  }
0xcf: {  	[sflag:s0] =	ssyncadd.remote.s32 $0x1  }
0xd0: {  	_ =	sfence.sel $0xFFFF  }
0xd1: {  	[dreg:$0x0] =	wrdreg $0xFFFFFFFF;
	(pc) =	sbr.abs _section_cstart, $3  }
0xd2: {  	[dreg:$0x1] =	wrdreg $0xFFFFFFFF  }
0xd3: {  	_ =	task.clear_ibuf [dreg:s22], $0x2FFFF;
	_ =	strace $0x9FFFFFFF  }
0xd4: {  	(tm) =	ssettm $0x7FFFFFFF  }
0xd5: {  	_ =	shalt  }
tec
execute0_lowered:
.L_overlay_start_1:
0x0: {  	(tag) =	ssettag $0x1  }
0x1: {  	s11 =	rddreg [dreg:$0x0]  }
0x2: {  	s6 =	rddreg [dreg:$0x1]  }
0x3: {  	s7 =	rddreg [dreg:$0x2]  }
0x4: {  	s1 =	rddreg [dreg:$0x3]  }
0x5: {  	s0 =	rddreg [dreg:$0x4];
	s2 =	srdreg.scid  }
0x6: {  	s3 =	simm.s32 $0x0;
	s10 =	sand.u32 $0x1, s2;
	s2 =	stileid.u32  }
0x7: {  	[smem:$0x7FF] =	sst s3;
	s17 =	sadd.s32 $0x138000, s1;
	s4 =	sshll.u32 s10, $0x9  }
0x8: {  	s8 =	smul.u32 $0x13800, s2;
	_ =	strace $0x8000004A;
	s24 =	ssub.s32 $0x2, s10  }
0x9: {  	s13 =	smul.u32 $0x4E000, s2;
	s14 =	sshll.u32 s10, $0x4;
	s26 =	sshll.u32 s2, $0x6  }
0xa: {  	s15 =	smul.u32 $0x138800, s10;
	s29 =	sshll.u32 s2, $0x5;
	s30 =	sshll.u32 s10, $0x10  }
0xb: {  	s31 =	sshll.u32 s2, $0xC;
	p0 =	sne.s32 s2, $0xF;
	s12 =	sadd.s32 s4, s6  }
0xc: {  	s9 =	sshrl.u32 s24, $0x1;
	s11 =	sadd.s32 s30, s11;
	s5 =	sshrl.u32 s8, $0x3  }
0xd: {  	s9 =	ssub.s32 s24, s9;
	s25 =	sshrl.u32 s13, $0x2;
	s8 =	sadd.s32 s8, s15  }
0xe: {  	s28 =	sshrl.u32 s15, $0x3;
	s12 =	sadd.s32 s29, s12;
	s11 =	sadd.s32 s31, s11  }
0xf: {  	s15 =	sshrl.u32 @!p0 s17, $0x3;
	s5 =	sadd.s32 s5, s6;
	s16 =	sadd.s32 s25, s1  }
0x10: {  	s6 =	sadd.s32 $0xA7C00, s6;
	s8 =	sshrl.u32 s8, $0x3;
	s13 =	sadd.s32 s7, s28  }
0x11: {  	s9 =	smax.u32 s9, $0x1;
	s10 =	sadd.s32 $0x76E00, s12;
	s12 =	sor.u32 s14, s2  }
0x12: {  	s14 =	simm.s32 $0x1;
	s4 =	sadd.s32 $0x80C00, s5;
	s5 =	sor.u32 $0x1C01, s26  }
0x13: {  	s7 =	sadd.s32 s7, s8;
	s8 =	sadd.s32 $0x27000, s13;
	s13 =	sshrl.u32 s16, $0x3  }
.LBB2_1:
0x14: {  	[spmem:s13], [sflag:s5] =	dma.local [hbm:s4], $0x2700  }
0x15: {  	_ =	swait.ge [sflag:s14], $0x2700  }
0x16: {  	[sflag:s14] =	ssyncset.done $0x0  }
0x17: {  	s16 =	simm.s32 @!p0 $0x1;
	[sflag:s14] =	ssyncadd.s32 $0xFFFFD900  }
0x18: {  	[spmem:s15], [sflag:s5] =	dma.local @!p0 [hbm:s6], $0x100  }
0x19: {  	s30 =	sadd.s32 $0x0, s12;
	_ =	swait.ge @!p0 [sflag:s16], $0x100  }
0x1a: {  	p1 =	sgt.u32 s30, $0x4E1;
	[sflag:s16] =	ssyncset.done @!p0 $0x0  }
0x1b: {  	s17 =	simm.s32 @!p1 $0x8000;
	[sflag:s16] =	ssyncadd.s32 @!p0 $0xFFFFFF00  }
0x1c: {  	s18 =	simm.s32 @!p1 $0x2;
	s16 =	simm.s32 @!p1 $0x0;
	[bflag:$0x0] =	sbarrier.arrive $0xFFFF  }
0x1d: {  	[tilespmem:s17], [sflag:$0x2] =	stream.linear.gather @!p1 [hbm4b:s10+s16], $0x100, $0x38;
	[tilespmem:$0x1B980] =	vst v63  }
0x1e: {  	_ =	swait.ge @!p1 [sflag:s18], $0x100;
	p1 =	por p1, p1  }
0x1f: {  	[sflag:s18] =	ssyncset.done @!p1 $0x0  }
0x20: {  	[sflag:s18] =	ssyncadd.s32 @!p1 $0xFFFFFF00  }
0x21: {  	[tilespmem:s16], [sflag:$0x2] =	stream.linear.gather @!p1 [hbm4b:s11+s16], $0x8000, $0x38;
	[tilespmem:$0x1B980] =	vst v63  }
0x22: {  	_ =	swait.ge @!p1 [sflag:s18], $0x8000  }
0x23: {  	[sflag:s18] =	ssyncset.done @!p1 $0x0  }
0x24: {  	s19 =	simm.s32 @!p1 $0x80;
	[sflag:s18] =	ssyncadd.s32 @!p1 $0xFFFF8000  }
0x25: {  	[spmem:s1] =	stream.indirect.scatter.add.f32 @!p1 [tilespmem:s16], [sflag:$0x2], $0x80, s17, s19, $0xb8;
	[tilespmem:$0x1B980] =	vst v63  }
0x26: {  	_ =	swait.ge @!p1 [sflag:s18], $0x4000  }
0x27: {  	s31 =	sadd.s32 $0x20, s12;
	[sflag:s18] =	ssyncset.done @!p1 $0x0  }
0x28: {  	s16 =	simm.s32 @!p1 $0x8080;
	[sflag:s18] =	ssyncadd.s32 @!p1 $0xFFFFC000;
	s18 =	simm.s32 @!p1 $0x4000  }
0x29: {  	[spmem:s1] =	stream.indirect.scatter.add.f32 @!p1 [tilespmem:s18], [sflag:$0x1], $0x80, s16, s19, $0xb8;
	[tilespmem:$0x1B980] =	vst v63  }
0x2a: {  	p3 =	sgt.u32 s31, $0x4E1;
	s17 =	simm.s32 $0x40;
	s19 =	simm.s32 @!p1 $0x1  }
0x2b: {  	s16 =	sadd.s32 $0x20000, s11;
	s18 =	sadd.s32 $0x400, s10;
	_ =	swait.ge @!p1 [sflag:s19], $0x4000  }
.LBB2_2:
0x2c: {  	s20 =	simm.s32 @!p3 $0x0  }
0x2d: {  	s21 =	simm.s32 @!p3 $0x8000;
	[sflag:s19] =	ssyncset.done @!p1 $0x0;
	s22 =	smov.u32 s17  }
0x2e: {  	s17 =	sadd.s32 $0x20, s17;
	s23 =	simm.s32 @!p3 $0x2;
	[sflag:s19] =	ssyncadd.s32 @!p1 $0xFFFFC000  }
0x2f: {  	[tilespmem:s21], [sflag:$0x2] =	stream.linear.gather @!p3 [hbm4b:s18+s20], $0x100, $0x38;
	[tilespmem:$0x1B980] =	vst v63  }
0x30: {  	p2 =	sne.s32 s17, $0x500;
	p1 =	por p3, p3;
	_ =	swait.ge @!p3 [sflag:s23], $0x100  }
0x31: {  	[sflag:s23] =	ssyncset.done @!p1 $0x0  }
0x32: {  	[sflag:s23] =	ssyncadd.s32 @!p1 $0xFFFFFF00  }
0x33: {  	[tilespmem:s20], [sflag:$0x2] =	stream.linear.gather @!p1 [hbm4b:s16+s20], $0x8000, $0x38;
	[tilespmem:$0x1B980] =	vst v63  }
0x34: {  	_ =	swait.ge @!p1 [sflag:s23], $0x8000  }
0x35: {  	[sflag:s23] =	ssyncset.done @!p1 $0x0  }
0x36: {  	s24 =	simm.s32 @!p1 $0x80;
	[sflag:s23] =	ssyncadd.s32 @!p1 $0xFFFF8000  }
0x37: {  	[spmem:s1] =	stream.indirect.scatter.add.f32 @!p1 [tilespmem:s20], [sflag:$0x2], $0x80, s21, s24, $0xb8;
	[tilespmem:$0x1B980] =	vst v63  }
.Ltmp0:
0x38: {  	s16 =	sadd.s32 $0x20000, s16;
	_ =	swait.ge @!p1 [sflag:s23], $0x4000;
	(pc) =	sbr.rel @p2 .LBB2_2-.Ltmp0, $4  }
0x39: {  	s19 =	simm.s32 @!p1 $0x1;
	s20 =	sadd.s32 s22, s12;
	[sflag:s23] =	ssyncset.done @!p1 $0x0  }
0x3a: {  	s21 =	simm.s32 @!p1 $0x8080;
	s22 =	simm.s32 @!p1 $0x4000;
	[sflag:s23] =	ssyncadd.s32 @!p1 $0xFFFFC000  }
0x3b: {  	[spmem:s1] =	stream.indirect.scatter.add.f32 @!p1 [tilespmem:s22], [sflag:$0x1], $0x80, s21, s24, $0xb8;
	[tilespmem:$0x1B980] =	vst v63  }
0x3c: {  	s18 =	sadd.s32 $0x400, s18;
	p3 =	sgt.u32 s20, $0x4E1;
	_ =	swait.ge @!p1 [sflag:s19], $0x4000  }
0x3d: {  	s17 =	simm.s32 @!p3 $0x0;
	[sflag:s19] =	ssyncset.done @!p1 $0x0  }
0x3e: {  	s20 =	simm.s32 @!p3 $0x8000;
	s21 =	simm.s32 @!p3 $0x2;
	[sflag:s19] =	ssyncadd.s32 @!p1 $0xFFFFC000  }
0x3f: {  	[tilespmem:s20], [sflag:$0x2] =	stream.linear.gather @!p3 [hbm4b:s18+s17], $0x100, $0x38;
	[tilespmem:$0x1B980] =	vst v63  }
0x40: {  	p1 =	por p3, p3;
	_ =	swait.ge @!p3 [sflag:s21], $0x100  }
0x41: {  	[sflag:s21] =	ssyncset.done @!p1 $0x0  }
0x42: {  	[sflag:s21] =	ssyncadd.s32 @!p1 $0xFFFFFF00  }
0x43: {  	[tilespmem:s17], [sflag:$0x2] =	stream.linear.gather @!p1 [hbm4b:s16+s17], $0x8000, $0x38;
	[tilespmem:$0x1B980] =	vst v63  }
0x44: {  	_ =	swait.ge @!p1 [sflag:s21], $0x8000  }
0x45: {  	[sflag:s21] =	ssyncset.done @!p1 $0x0  }
0x46: {  	s16 =	simm.s32 @!p1 $0x80;
	[sflag:s21] =	ssyncadd.s32 @!p1 $0xFFFF8000  }
0x47: {  	[spmem:s1] =	stream.indirect.scatter.add.f32 @!p1 [tilespmem:s17], [sflag:$0x2], $0x80, s20, s16, $0xb8;
	[tilespmem:$0x1B980] =	vst v63  }
0x48: {  	_ =	swait.ge @!p1 [sflag:s21], $0x4000  }
0x49: {  	s18 =	simm.s32 @!p1 $0x8080;
	[sflag:s21] =	ssyncset.done @!p1 $0x0  }
0x4a: {  	s19 =	simm.s32 @!p1 $0x4000;
	s17 =	simm.s32 @!p1 $0x1;
	[sflag:s21] =	ssyncadd.s32 @!p1 $0xFFFFC000  }
0x4b: {  	[spmem:s1] =	stream.indirect.scatter.add.f32 @!p1 [tilespmem:s19], [sflag:$0x1], $0x80, s18, s16, $0xb8;
	[tilespmem:$0x1B980] =	vst v63  }
0x4c: {  	_ =	swait.ge @!p1 [sflag:s17], $0x4000  }
0x4d: {  	[sflag:s17] =	ssyncset.done @!p1 $0x0  }
0x4e: {  	[sflag:s17] =	ssyncadd.s32 @!p1 $0xFFFFC000  }
0x4f: {  	[bflag:$0x0] =	sbarrier.arrive $0xFFFF  }
0x50: {  	[hbm:s7], [sflag:s5] =	dma.local [spmem:s13], $0x2700  }
0x51: {  	s3 =	sadd.s32 $0x1, s3;
	_ =	swait.ge [sflag:s14], $0x2700  }
0x52: {  	p1 =	sne.s32 s3, s9;
	[sflag:s14] =	ssyncset.done $0x0  }
.Ltmp1:
0x53: {  	s16 =	simm.s32 @!p0 $0x1;
	[sflag:s14] =	ssyncadd.s32 $0xFFFFD900;
	(pc) =	sbr.rel @p1 .LBB2_1-.Ltmp1, $4  }
0x54: {  	[hbm:s8], [sflag:s5] =	dma.local @!p0 [spmem:s15], $0x100  }
0x55: {  	_ =	swait.ge @!p0 [sflag:s16], $0x100  }
0x56: {  	[sflag:s16] =	ssyncset.done @!p0 $0x0  }
0x57: {  	[sflag:s16] =	ssyncadd.s32 @!p0 $0xFFFFFF00  }
0x58: {  	_ =	sfence.sel $0x180000  }
0x59: {  	[bflag:$0x0] =	sbarrier.arrive $0xFFFF  }
0x5a: {  	p0 =	sne.s32 s2, $0x0;
	_ =	strace $0x9000004A  }
0x5b: {  	s0 =	sadd.s32 @!p0 $0x100000, s0;
	[bflag:$0x2] =	sbarrier.arrive $0xFFFF  }
0x5c: {  	[sflag:s0] =	ssyncadd.tile.s32 @!p0 $0x1;
	_ =	shalt  }
.Lfunc_end2:
_tile_overlayer_lowered:
.L_overlay_start_2:
0x5d: {  	(tag) =	ssettag $0x2  }
0x5e: {  	s0 =	rddreg [dreg:$0x0];
	s2 =	stileid.u32  }
0x5f: {  	s1 =	rddreg [dreg:$0x1];
	p0 =	sne.s32 s2, $0x0  }
0x60: {  	s3 =	rddreg [dreg:$0x2];
	[bflag:$0x3] =	sbarrier.arrive $0xFFFF;
	s2 =	simm.s32 @!p0 $0x1C01  }
0x61: {  	[timem:s3], [sflag:s2] =	dma.local @!p0 [hbm:s0], s1  }
0x62: {  	s0 =	simm.s32 @!p0 $0x1  }
0x63: {  	_ =	swait.ge @!p0 [sflag:s0], s1  }
0x64: {  	s1 =	ssub.s32 @!p0 $0x0, s1;
	[sflag:s0] =	ssyncset.done @!p0 $0x0  }
0x65: {  	[sflag:s0] =	ssyncadd.s32 @!p0 s1  }
0x66: {  	[bflag:$0x3] =	sbarrier.arrive $0xFFFF  }
0x67: {  	_ =	shalt  }

</sc_bundles>
